<compile_context>
chip_gen: v7x
topology: tpu7x:2x2x1
jax: 0.10.2.dev20260603
libtpu: 0.0.44.dev20260713+nightly
codegen_flags: <defaults>
</compile_context>

<pallas_src>
import functools

import jax
import jax.numpy as jnp
from jax import lax
from jax.experimental import pallas as pl
from jax.experimental.pallas import tpu as pltpu
from jax.experimental.pallas import tpu_sc as plsc



def _proj_body(t_ref, wt_ref, b_ref, o_ref):
    o_ref[...] = (
        jnp.dot(t_ref[...], wt_ref[...], preferred_element_type=jnp.float32)
        + b_ref[...]
    )


def _project_table(table, W, b):
    V, D = table.shape
    t2 = table.reshape(V // 2, 2 * D)
    Wt = W.T
    W2 = jnp.zeros((2 * D, 2 * D), jnp.float32)
    W2 = W2.at[:D, :D].set(Wt).at[D:, D:].set(Wt)
    b2 = jnp.concatenate([b, b]).reshape(1, 2 * D)
    BLK = 2000
    assert (V // 2) % BLK == 0
    proj2 = pl.pallas_call(
        _proj_body,
        grid=(V // 2 // BLK,),
        in_specs=[
            pl.BlockSpec((BLK, 2 * D), lambda i: (i, 0)),
            pl.BlockSpec((2 * D, 2 * D), lambda i: (0, 0)),
            pl.BlockSpec((1, 2 * D), lambda i: (0, 0)),
        ],
        out_specs=pl.BlockSpec((BLK, 2 * D), lambda i: (i, 0)),
        out_shape=jax.ShapeDtypeStruct((V // 2, 2 * D), jnp.float32),
    )(t2, W2, b2)
    return proj2.reshape(V, D)



_BLK = 128


def _make_gather(V, D, NW, NC, n_blk):
    mesh = plsc.VectorSubcoreMesh(core_axis_name="c", subcore_axis_name="s")

    @functools.partial(
        pl.kernel,
        mesh=mesh,
        out_type=jax.ShapeDtypeStruct((NW * n_blk * _BLK, D), jnp.float32),
        scratch_types=[
            pltpu.VMEM((n_blk, _BLK), jnp.int32),
            pltpu.VMEM((4, _BLK, D), jnp.float32),
            pltpu.SemaphoreType.DMA,
            pltpu.SemaphoreType.DMA,
            pltpu.SemaphoreType.DMA,
            pltpu.SemaphoreType.DMA,
            pltpu.SemaphoreType.DMA,
            pltpu.SemaphoreType.DMA,
            pltpu.SemaphoreType.DMA,
            pltpu.SemaphoreType.DMA,
        ],
        compiler_params=pltpu.CompilerParams(use_tc_tiling_on_sc=False),
    )
    def gather(tab_hbm, idx_hbm, out_hbm, idx_v, rows_v,
               g0, g1, g2s, g3s, o0, o1, o2s, o3s):
        gsem = (g0, g1, g2s, g3s)
        osem = (o0, o1, o2s, o3s)
        wid = lax.axis_index("s") * NC + lax.axis_index("c")
        pltpu.sync_copy(idx_hbm.at[wid], idx_v)
        base_pair = wid * (n_blk * _BLK)
        pltpu.async_copy(tab_hbm.at[idx_v.at[0]], rows_v.at[0], g0)
        pltpu.async_copy(tab_hbm.at[idx_v.at[1]], rows_v.at[1], g1)

        def step(j, s):
            pltpu.make_async_copy(
                tab_hbm.at[idx_v.at[j]], rows_v.at[s], gsem[s]
            ).wait()

            sn = (s + 2) % 4
            @pl.when(j >= 2)
            def _():
                pltpu.make_async_copy(
                    rows_v.at[sn],
                    out_hbm.at[pl.ds(base_pair + (j - 2) * _BLK, _BLK)],
                    osem[sn],
                ).wait()

            @pl.when(j < n_blk - 2)
            def _():
                pltpu.async_copy(
                    tab_hbm.at[idx_v.at[j + 2]], rows_v.at[sn], gsem[sn]
                )

            pltpu.async_copy(
                rows_v.at[s],
                out_hbm.at[pl.ds(base_pair + j * _BLK, _BLK)],
                osem[s],
            )

        def loop(i, carry):
            step(4 * i, 0)
            step(4 * i + 1, 1)
            step(4 * i + 2, 2)
            step(4 * i + 3, 3)
            return carry

        nfull = (n_blk - 2) // 4
        lax.fori_loop(0, nfull, loop, 0)
        for j in range(4 * nfull, n_blk):
            step(j, j % 4)
        for j in (n_blk - 2, n_blk - 1):
            pltpu.make_async_copy(
                rows_v.at[j % 4],
                out_hbm.at[pl.ds(base_pair + j * _BLK, _BLK)],
                osem[j % 4],
            ).wait()

    return gather



_BB = 256


def _trans_body(g_ref, eye_ref, o_ref):
    nlp = g_ref.shape[0] // _BB
    g3 = g_ref.reshape(_BB, nlp, g_ref.shape[1])
    eye = eye_ref[...]
    for lp in range(nlp):
        y = g3[:, lp, :]
        yt = lax.dot_general(
            y, eye, (((0,), (0,)), ((), ())),
            preferred_element_type=jnp.float32,
        )
        o_ref[2 * lp, :, :] = yt[:64, :]
        o_ref[2 * lp + 1, :, :] = yt[64:, :]


def _to_entry_layout(g2, B, L, D):
    eye = jnp.eye(_BB, dtype=jnp.float32)
    out3 = pl.pallas_call(
        _trans_body,
        grid=(B // _BB,),
        in_specs=[
            pl.BlockSpec((_BB * L // 2, 2 * D), lambda i: (i, 0)),
            pl.BlockSpec((_BB, _BB), lambda i: (0, 0)),
        ],
        out_specs=pl.BlockSpec((L, D, _BB), lambda i: (0, 0, i)),
        out_shape=jax.ShapeDtypeStruct((L, D, B), jnp.float32),
    )(g2, eye)
    return out3.transpose(2, 0, 1)



def kernel(color_indices, table, W, b):
    B, L = color_indices.shape
    V, D = table.shape
    info = plsc.get_sparse_core_info()
    NC, NS = info.num_cores, info.num_subcores
    NW = NC * NS
    total = B * L
    assert total % (NW * _BLK) == 0
    n_blk = total // (NW * _BLK)

    proj = _project_table(table, W, b)
    idx = color_indices.astype(jnp.int32).reshape(NW, n_blk, _BLK)
    g = _make_gather(V, D, NW, NC, n_blk)(proj, idx)
    g2 = g.reshape(B * L // 2, 2 * D)
    return _to_entry_layout(g2, B, L, D)

# --- scband reference (transcript-rebuilt; emitter-appended) ---
"""Pipeline reference for scband-color-embedding-27848567947984 (READ-ONLY COPY).

The authoritative reference and input builder live on the scoring server;
editing this copy changes nothing except your own understanding.
"""

import jax, jax.numpy as jnp
import numpy as np

NUM_COLORS = 100000
EMBED_DIM = 64

def setup_inputs(seed: int = 0) -> dict:
    key = jax.random.key(seed)
    k1, k2, k3, k4 = jax.random.split(key, 4)
    color_indices = jax.random.randint(k1, (4096, 50), 0, NUM_COLORS, dtype=jnp.int64 if jax.config.jax_enable_x64 else jnp.int32)
    table = jax.random.normal(k2, (NUM_COLORS, EMBED_DIM), dtype=jnp.float32)
    # nn.Linear default init: uniform(-1/sqrt(fan_in), 1/sqrt(fan_in))
    bound = 1.0 / np.sqrt(EMBED_DIM)
    W = jax.random.uniform(k3, (EMBED_DIM, EMBED_DIM), minval=-bound, maxval=bound, dtype=jnp.float32)
    b = jax.random.uniform(k4, (EMBED_DIM,), minval=-bound, maxval=bound, dtype=jnp.float32)
    return {"color_indices": color_indices, "table": table, "W": W, "b": b}

def reference(color_indices, table, W, b):
    embedded = jnp.take(table, color_indices, axis=0)  # [B, L, D]
    projected = jnp.einsum('bld,ed->ble', embedded, W) + b  # Linear: x @ W^T + b
    return projected

if __name__ == "__main__":
    import jax
    _d = setup_inputs()
    print(jax.jit(kernel)(*tuple(_d.values())))

</pallas_src>

<mosaic_0001>
#map = affine_map<(d0, d1) -> (0, 0)>
#map1 = affine_map<(d0, d1) -> (0, 0, 0)>
module attributes {stable_mosaic.version = 14 : i64} {
  func.func @gather(%arg0: i32, %arg1: i32, %arg2: memref<100000x64xf32, #tpu.memory_space<hbm>>, %arg3: memref<32x50x128xi32, #tpu.memory_space<hbm>>, %arg4: memref<204800x64xf32, #tpu.memory_space<hbm>>, %arg5: memref<50x128xi32, #tpu.memory_space<vmem>>, %arg6: memref<4x128x64xf32, #tpu.memory_space<vmem>>, %arg7: memref<!tpu.dma_semaphore, #tpu.memory_space<semaphore_mem>>, %arg8: memref<!tpu.dma_semaphore, #tpu.memory_space<semaphore_mem>>, %arg9: memref<!tpu.dma_semaphore, #tpu.memory_space<semaphore_mem>>, %arg10: memref<!tpu.dma_semaphore, #tpu.memory_space<semaphore_mem>>, %arg11: memref<!tpu.dma_semaphore, #tpu.memory_space<semaphore_mem>>, %arg12: memref<!tpu.dma_semaphore, #tpu.memory_space<semaphore_mem>>, %arg13: memref<!tpu.dma_semaphore, #tpu.memory_space<semaphore_mem>>, %arg14: memref<!tpu.dma_semaphore, #tpu.memory_space<semaphore_mem>>) attributes {dimension_semantics = [#tpu.dimension_semantics<core_parallel>, #tpu.dimension_semantics<subcore_parallel>], iteration_bounds = array<i64: 2, 16>, scalar_prefetch = 0 : i64, scratch_operands = 10 : i64, tpu.core_type = #tpu.core_type<sc_vector_subcore>, window_params = [{transform_indices = #map}, {transform_indices = #map1}, {transform_indices = #map}]} {
    %mul3A = arith.constant 2 : i32
    %mul3A_0 = arith.muli %arg1, %mul3A : i32
    %add3A = arith.addi %mul3A_0, %arg0 : i32
    "tpu.region"() ({
      %run_scoped3A = tpu.sem_alloc : memref<!tpu.dma_semaphore, #tpu.memory_space<semaphore_mem>>
      %dma_start3A_144 = arith.constant 0 : i32
      %dma_start3A_145 = arith.constant 0 : i32
      %dma_start3A_146 = tpu.memref_slice %arg3[%add3A, %dma_start3A_144, %dma_start3A_145] : memref<32x50x128xi32, #tpu.memory_space<hbm>> -> memref<1x50x128xi32, #tpu.memory_space<hbm>>
      %dma_start3A_147 = tpu.memref_squeeze %dma_start3A_146 : memref<1x50x128xi32, #tpu.memory_space<hbm>> -> memref<50x128xi32, #tpu.memory_space<hbm>>
      %dma_start3A_148 = arith.constant 0 : i32
      %dma_start3A_149 = arith.constant 0 : i32
      %dma_start3A_150 = tpu.memref_slice %arg3[%add3A, %dma_start3A_148, %dma_start3A_149] : memref<32x50x128xi32, #tpu.memory_space<hbm>> -> memref<1x50x128xi32, #tpu.memory_space<hbm>>
      %dma_start3A_151 = tpu.memref_squeeze %dma_start3A_150 : memref<1x50x128xi32, #tpu.memory_space<hbm>> -> memref<50x128xi32, #tpu.memory_space<hbm>>
      tpu.enqueue_dma source(%dma_start3A_151 : memref<50x128xi32, #tpu.memory_space<hbm>>) target(%arg5 : memref<50x128xi32, #tpu.memory_space<vmem>>) target_semaphore(%run_scoped3A : memref<!tpu.dma_semaphore, #tpu.memory_space<semaphore_mem>>)
      %dma_wait3A_152 = arith.constant 0 : i32
      %dma_wait3A_153 = arith.constant 0 : i32
      %dma_wait3A_154 = tpu.memref_slice %arg3[%add3A, %dma_wait3A_152, %dma_wait3A_153] : memref<32x50x128xi32, #tpu.memory_space<hbm>> -> memref<1x50x128xi32, #tpu.memory_space<hbm>>
      %dma_wait3A_155 = tpu.memref_squeeze %dma_wait3A_154 : memref<1x50x128xi32, #tpu.memory_space<hbm>> -> memref<50x128xi32, #tpu.memory_space<hbm>>
      %dma_wait3A_156 = arith.constant 0 : i32
      %dma_wait3A_157 = arith.constant 0 : i32
      %dma_wait3A_158 = tpu.memref_slice %arg3[%add3A, %dma_wait3A_156, %dma_wait3A_157] : memref<32x50x128xi32, #tpu.memory_space<hbm>> -> memref<1x50x128xi32, #tpu.memory_space<hbm>>
      %dma_wait3A_159 = tpu.memref_squeeze %dma_wait3A_158 : memref<1x50x128xi32, #tpu.memory_space<hbm>> -> memref<50x128xi32, #tpu.memory_space<hbm>>
      tpu.wait_dma2 semaphore(%run_scoped3A : memref<!tpu.dma_semaphore, #tpu.memory_space<semaphore_mem>>) src(%dma_wait3A_159 : memref<50x128xi32, #tpu.memory_space<hbm>>) dst(%arg5 : memref<50x128xi32, #tpu.memory_space<vmem>>)
      tpu.yield
    }) : () -> ()
    %mul3A_1 = arith.constant 6400 : i32
    %mul3A_2 = arith.muli %add3A, %mul3A_1 : i32
    %dma_start3A = arith.constant 0 : i32
    %dma_start3A_3 = arith.constant 0 : i32
    %dma_start3A_4 = arith.constant 0 : i32
    %dma_start3A_5 = arith.constant 0 : i32
    %dma_start3A_6 = tpu.memref_slice %arg6[%dma_start3A_3, %dma_start3A_4, %dma_start3A_5] : memref<4x128x64xf32, #tpu.memory_space<vmem>> -> memref<1x128x64xf32, #tpu.memory_space<vmem>>
    %dma_start3A_7 = tpu.memref_squeeze %dma_start3A_6 : memref<1x128x64xf32, #tpu.memory_space<vmem>> -> memref<128x64xf32, #tpu.memory_space<vmem>>
    %dma_start3A_8 = arith.constant 0 : i32
    %dma_start3A_9 = tpu.memref_slice %arg5[%dma_start3A, %dma_start3A_8] : memref<50x128xi32, #tpu.memory_space<vmem>> -> memref<1x128xi32, #tpu.memory_space<vmem>>
    %dma_start3A_10 = tpu.memref_squeeze %dma_start3A_9 : memref<1x128xi32, #tpu.memory_space<vmem>> -> memref<128xi32, #tpu.memory_space<vmem>>
    %dma_start3A_11 = arith.constant 0 : i32
    %dma_start3A_12 = arith.constant 0 : i32
    %dma_start3A_13 = tpu.memref_slice %arg2[%dma_start3A_11, %dma_start3A_12] : memref<100000x64xf32, #tpu.memory_space<hbm>> -> memref<100000x64xf32, #tpu.memory_space<hbm>>
    tpu.enqueue_indirect_dma source(%dma_start3A_13 : memref<100000x64xf32, #tpu.memory_space<hbm>>) target(%dma_start3A_7 : memref<128x64xf32, #tpu.memory_space<vmem>>) offsets(%dma_start3A_10 : memref<128xi32, #tpu.memory_space<vmem>>) semaphore(%arg7 : memref<!tpu.dma_semaphore, #tpu.memory_space<semaphore_mem>>)
    %dma_start3A_14 = arith.constant 1 : i32
    %dma_start3A_15 = arith.constant 1 : i32
    %dma_start3A_16 = arith.constant 0 : i32
    %dma_start3A_17 = arith.constant 0 : i32
    %dma_start3A_18 = tpu.memref_slice %arg6[%dma_start3A_15, %dma_start3A_16, %dma_start3A_17] : memref<4x128x64xf32, #tpu.memory_space<vmem>> -> memref<1x128x64xf32, #tpu.memory_space<vmem>>
    %dma_start3A_19 = tpu.memref_squeeze %dma_start3A_18 : memref<1x128x64xf32, #tpu.memory_space<vmem>> -> memref<128x64xf32, #tpu.memory_space<vmem>>
    %dma_start3A_20 = arith.constant 0 : i32
    %dma_start3A_21 = tpu.memref_slice %arg5[%dma_start3A_14, %dma_start3A_20] : memref<50x128xi32, #tpu.memory_space<vmem>> -> memref<1x128xi32, #tpu.memory_space<vmem>>
    %dma_start3A_22 = tpu.memref_squeeze %dma_start3A_21 : memref<1x128xi32, #tpu.memory_space<vmem>> -> memref<128xi32, #tpu.memory_space<vmem>>
    %dma_start3A_23 = arith.constant 0 : i32
    %dma_start3A_24 = arith.constant 0 : i32
    %dma_start3A_25 = tpu.memref_slice %arg2[%dma_start3A_23, %dma_start3A_24] : memref<100000x64xf32, #tpu.memory_space<hbm>> -> memref<100000x64xf32, #tpu.memory_space<hbm>>
    tpu.enqueue_indirect_dma source(%dma_start3A_25 : memref<100000x64xf32, #tpu.memory_space<hbm>>) target(%dma_start3A_19 : memref<128x64xf32, #tpu.memory_space<vmem>>) offsets(%dma_start3A_22 : memref<128xi32, #tpu.memory_space<vmem>>) semaphore(%arg8 : memref<!tpu.dma_semaphore, #tpu.memory_space<semaphore_mem>>)
    %scan3A = arith.constant 0 : i32
    %scan3A_26 = arith.constant 0 : i32
    %scan3A_27 = arith.constant 12 : i32
    %scan3A_28 = arith.addi %scan3A_26, %scan3A_27 : i32
    %scan3A_29 = arith.constant 1 : i32
    scf.for %scan3A_144 = %scan3A_26 to %scan3A_28 step %scan3A_29  : i32 {
      %mul3A_145 = arith.constant 4 : i32
      %mul3A_146 = arith.muli %mul3A_145, %scan3A_144 : i32
      %dma_wait3A_147 = arith.constant 0 : i32
      %dma_wait3A_148 = arith.constant 0 : i32
      %dma_wait3A_149 = arith.constant 0 : i32
      %dma_wait3A_150 = tpu.memref_slice %arg6[%dma_wait3A_147, %dma_wait3A_148, %dma_wait3A_149] : memref<4x128x64xf32, #tpu.memory_space<vmem>> -> memref<1x128x64xf32, #tpu.memory_space<vmem>>
      %dma_wait3A_151 = tpu.memref_squeeze %dma_wait3A_150 : memref<1x128x64xf32, #tpu.memory_space<vmem>> -> memref<128x64xf32, #tpu.memory_space<vmem>>
      %dma_wait3A_152 = arith.constant 0 : i32
      %dma_wait3A_153 = tpu.memref_slice %arg5[%mul3A_146, %dma_wait3A_152] : memref<50x128xi32, #tpu.memory_space<vmem>> -> memref<1x128xi32, #tpu.memory_space<vmem>>
      %dma_wait3A_154 = tpu.memref_squeeze %dma_wait3A_153 : memref<1x128xi32, #tpu.memory_space<vmem>> -> memref<128xi32, #tpu.memory_space<vmem>>
      %dma_wait3A_155 = arith.constant 0 : i32
      %dma_wait3A_156 = arith.constant 0 : i32
      %dma_wait3A_157 = tpu.memref_slice %arg2[%dma_wait3A_155, %dma_wait3A_156] : memref<100000x64xf32, #tpu.memory_space<hbm>> -> memref<100000x64xf32, #tpu.memory_space<hbm>>
      tpu.wait_indirect_dma semaphore(%arg7 : memref<!tpu.dma_semaphore, #tpu.memory_space<semaphore_mem>>) src(%dma_wait3A_157 : memref<100000x64xf32, #tpu.memory_space<hbm>>) dst(%dma_wait3A_151 : memref<128x64xf32, #tpu.memory_space<vmem>>)
      %ge3A = arith.constant 2 : i32
      %ge3A_158 = arith.cmpi sge, %mul3A_146, %ge3A : i32
      %convert_element_type3A = arith.extui %ge3A_158 : i1 to i32
      %cond3A = arith.constant 0 : i32
      %cond3A_159 = arith.cmpi ne, %convert_element_type3A, %cond3A : i32
      scf.if %cond3A_159 {
        %sub3A = arith.constant 2 : i32
        %sub3A_303 = arith.subi %mul3A_146, %sub3A : i32
        %mul3A_304 = arith.constant 128 : i32
        %mul3A_305 = arith.muli %sub3A_303, %mul3A_304 : i32
        %add3A_306 = arith.addi %mul3A_2, %mul3A_305 : i32
        %dma_wait3A_307 = arith.constant 2 : i32
        %dma_wait3A_308 = arith.constant 0 : i32
        %dma_wait3A_309 = arith.constant 0 : i32
        %dma_wait3A_310 = tpu.memref_slice %arg6[%dma_wait3A_307, %dma_wait3A_308, %dma_wait3A_309] : memref<4x128x64xf32, #tpu.memory_space<vmem>> -> memref<1x128x64xf32, #tpu.memory_space<vmem>>
        %dma_wait3A_311 = tpu.memref_squeeze %dma_wait3A_310 : memref<1x128x64xf32, #tpu.memory_space<vmem>> -> memref<128x64xf32, #tpu.memory_space<vmem>>
        %dma_wait3A_312 = arith.constant 0 : i32
        %dma_wait3A_313 = tpu.memref_slice %arg4[%add3A_306, %dma_wait3A_312] : memref<204800x64xf32, #tpu.memory_space<hbm>> -> memref<128x64xf32, #tpu.memory_space<hbm>>
        %dma_wait3A_314 = arith.constant 0 : i32
        %dma_wait3A_315 = tpu.memref_slice %arg4[%add3A_306, %dma_wait3A_314] : memref<204800x64xf32, #tpu.memory_space<hbm>> -> memref<128x64xf32, #tpu.memory_space<hbm>>
        %dma_wait3A_316 = arith.constant 0 : i32
        %dma_wait3A_317 = arith.constant 0 : i32
        %dma_wait3A_318 = tpu.memref_slice %arg6[%dma_wait3A_307, %dma_wait3A_316, %dma_wait3A_317] : memref<4x128x64xf32, #tpu.memory_space<vmem>> -> memref<1x128x64xf32, #tpu.memory_space<vmem>>
        %dma_wait3A_319 = tpu.memref_squeeze %dma_wait3A_318 : memref<1x128x64xf32, #tpu.memory_space<vmem>> -> memref<128x64xf32, #tpu.memory_space<vmem>>
        tpu.wait_dma2 semaphore(%arg13 : memref<!tpu.dma_semaphore, #tpu.memory_space<semaphore_mem>>) src(%dma_wait3A_319 : memref<128x64xf32, #tpu.memory_space<vmem>>) dst(%dma_wait3A_315 : memref<128x64xf32, #tpu.memory_space<hbm>>)
      } else {
      }
      %lt3A = arith.constant 48 : i32
      %lt3A_160 = arith.cmpi slt, %mul3A_146, %lt3A : i32
      %convert_element_type3A_161 = arith.extui %lt3A_160 : i1 to i32
      %cond3A_162 = arith.constant 0 : i32
      %cond3A_163 = arith.cmpi ne, %convert_element_type3A_161, %cond3A_162 : i32
      scf.if %cond3A_163 {
        %add3A_303 = arith.constant 2 : i32
        %add3A_304 = arith.addi %mul3A_146, %add3A_303 : i32
        %dma_start3A_305 = arith.constant 2 : i32
        %dma_start3A_306 = arith.constant 0 : i32
        %dma_start3A_307 = arith.constant 0 : i32
        %dma_start3A_308 = tpu.memref_slice %arg6[%dma_start3A_305, %dma_start3A_306, %dma_start3A_307] : memref<4x128x64xf32, #tpu.memory_space<vmem>> -> memref<1x128x64xf32, #tpu.memory_space<vmem>>
        %dma_start3A_309 = tpu.memref_squeeze %dma_start3A_308 : memref<1x128x64xf32, #tpu.memory_space<vmem>> -> memref<128x64xf32, #tpu.memory_space<vmem>>
        %dma_start3A_310 = arith.constant 0 : i32
        %dma_start3A_311 = tpu.memref_slice %arg5[%add3A_304, %dma_start3A_310] : memref<50x128xi32, #tpu.memory_space<vmem>> -> memref<1x128xi32, #tpu.memory_space<vmem>>
        %dma_start3A_312 = tpu.memref_squeeze %dma_start3A_311 : memref<1x128xi32, #tpu.memory_space<vmem>> -> memref<128xi32, #tpu.memory_space<vmem>>
        %dma_start3A_313 = arith.constant 0 : i32
        %dma_start3A_314 = arith.constant 0 : i32
        %dma_start3A_315 = tpu.memref_slice %arg2[%dma_start3A_313, %dma_start3A_314] : memref<100000x64xf32, #tpu.memory_space<hbm>> -> memref<100000x64xf32, #tpu.memory_space<hbm>>
        tpu.enqueue_indirect_dma source(%dma_start3A_315 : memref<100000x64xf32, #tpu.memory_space<hbm>>) target(%dma_start3A_309 : memref<128x64xf32, #tpu.memory_space<vmem>>) offsets(%dma_start3A_312 : memref<128xi32, #tpu.memory_space<vmem>>) semaphore(%arg9 : memref<!tpu.dma_semaphore, #tpu.memory_space<semaphore_mem>>)
      } else {
      }
      %mul3A_164 = arith.constant 128 : i32
      %mul3A_165 = arith.muli %mul3A_146, %mul3A_164 : i32
      %add3A_166 = arith.addi %mul3A_2, %mul3A_165 : i32
      %dma_start3A_167 = arith.constant 0 : i32
      %dma_start3A_168 = arith.constant 0 : i32
      %dma_start3A_169 = arith.constant 0 : i32
      %dma_start3A_170 = tpu.memref_slice %arg6[%dma_start3A_167, %dma_start3A_168, %dma_start3A_169] : memref<4x128x64xf32, #tpu.memory_space<vmem>> -> memref<1x128x64xf32, #tpu.memory_space<vmem>>
      %dma_start3A_171 = tpu.memref_squeeze %dma_start3A_170 : memref<1x128x64xf32, #tpu.memory_space<vmem>> -> memref<128x64xf32, #tpu.memory_space<vmem>>
      %dma_start3A_172 = arith.constant 0 : i32
      %dma_start3A_173 = tpu.memref_slice %arg4[%add3A_166, %dma_start3A_172] : memref<204800x64xf32, #tpu.memory_space<hbm>> -> memref<128x64xf32, #tpu.memory_space<hbm>>
      %dma_start3A_174 = arith.constant 0 : i32
      %dma_start3A_175 = tpu.memref_slice %arg4[%add3A_166, %dma_start3A_174] : memref<204800x64xf32, #tpu.memory_space<hbm>> -> memref<128x64xf32, #tpu.memory_space<hbm>>
      %dma_start3A_176 = arith.constant 0 : i32
      %dma_start3A_177 = arith.constant 0 : i32
      %dma_start3A_178 = tpu.memref_slice %arg6[%dma_start3A_167, %dma_start3A_176, %dma_start3A_177] : memref<4x128x64xf32, #tpu.memory_space<vmem>> -> memref<1x128x64xf32, #tpu.memory_space<vmem>>
      %dma_start3A_179 = tpu.memref_squeeze %dma_start3A_178 : memref<1x128x64xf32, #tpu.memory_space<vmem>> -> memref<128x64xf32, #tpu.memory_space<vmem>>
      tpu.enqueue_dma source(%dma_start3A_179 : memref<128x64xf32, #tpu.memory_space<vmem>>) target(%dma_start3A_175 : memref<128x64xf32, #tpu.memory_space<hbm>>) target_semaphore(%arg11 : memref<!tpu.dma_semaphore, #tpu.memory_space<semaphore_mem>>)
      %mul3A_180 = arith.constant 4 : i32
      %mul3A_181 = arith.muli %mul3A_180, %scan3A_144 : i32
      %add3A_182 = arith.constant 1 : i32
      %add3A_183 = arith.addi %mul3A_181, %add3A_182 : i32
      %dma_wait3A_184 = arith.constant 1 : i32
      %dma_wait3A_185 = arith.constant 0 : i32
      %dma_wait3A_186 = arith.constant 0 : i32
      %dma_wait3A_187 = tpu.memref_slice %arg6[%dma_wait3A_184, %dma_wait3A_185, %dma_wait3A_186] : memref<4x128x64xf32, #tpu.memory_space<vmem>> -> memref<1x128x64xf32, #tpu.memory_space<vmem>>
      %dma_wait3A_188 = tpu.memref_squeeze %dma_wait3A_187 : memref<1x128x64xf32, #tpu.memory_space<vmem>> -> memref<128x64xf32, #tpu.memory_space<vmem>>
      %dma_wait3A_189 = arith.constant 0 : i32
      %dma_wait3A_190 = tpu.memref_slice %arg5[%add3A_183, %dma_wait3A_189] : memref<50x128xi32, #tpu.memory_space<vmem>> -> memref<1x128xi32, #tpu.memory_space<vmem>>
      %dma_wait3A_191 = tpu.memref_squeeze %dma_wait3A_190 : memref<1x128xi32, #tpu.memory_space<vmem>> -> memref<128xi32, #tpu.memory_space<vmem>>
      %dma_wait3A_192 = arith.constant 0 : i32
      %dma_wait3A_193 = arith.constant 0 : i32
      %dma_wait3A_194 = tpu.memref_slice %arg2[%dma_wait3A_192, %dma_wait3A_193] : memref<100000x64xf32, #tpu.memory_space<hbm>> -> memref<100000x64xf32, #tpu.memory_space<hbm>>
      tpu.wait_indirect_dma semaphore(%arg8 : memref<!tpu.dma_semaphore, #tpu.memory_space<semaphore_mem>>) src(%dma_wait3A_194 : memref<100000x64xf32, #tpu.memory_space<hbm>>) dst(%dma_wait3A_188 : memref<128x64xf32, #tpu.memory_space<vmem>>)
      %ge3A_195 = arith.constant 2 : i32
      %ge3A_196 = arith.cmpi sge, %add3A_183, %ge3A_195 : i32
      %convert_element_type3A_197 = arith.extui %ge3A_196 : i1 to i32
      %cond3A_198 = arith.constant 0 : i32
      %cond3A_199 = arith.cmpi ne, %convert_element_type3A_197, %cond3A_198 : i32
      scf.if %cond3A_199 {
        %sub3A = arith.constant 2 : i32
        %sub3A_303 = arith.subi %add3A_183, %sub3A : i32
        %mul3A_304 = arith.constant 128 : i32
        %mul3A_305 = arith.muli %sub3A_303, %mul3A_304 : i32
        %add3A_306 = arith.addi %mul3A_2, %mul3A_305 : i32
        %dma_wait3A_307 = arith.constant 3 : i32
        %dma_wait3A_308 = arith.constant 0 : i32
        %dma_wait3A_309 = arith.constant 0 : i32
        %dma_wait3A_310 = tpu.memref_slice %arg6[%dma_wait3A_307, %dma_wait3A_308, %dma_wait3A_309] : memref<4x128x64xf32, #tpu.memory_space<vmem>> -> memref<1x128x64xf32, #tpu.memory_space<vmem>>
        %dma_wait3A_311 = tpu.memref_squeeze %dma_wait3A_310 : memref<1x128x64xf32, #tpu.memory_space<vmem>> -> memref<128x64xf32, #tpu.memory_space<vmem>>
        %dma_wait3A_312 = arith.constant 0 : i32
        %dma_wait3A_313 = tpu.memref_slice %arg4[%add3A_306, %dma_wait3A_312] : memref<204800x64xf32, #tpu.memory_space<hbm>> -> memref<128x64xf32, #tpu.memory_space<hbm>>
        %dma_wait3A_314 = arith.constant 0 : i32
        %dma_wait3A_315 = tpu.memref_slice %arg4[%add3A_306, %dma_wait3A_314] : memref<204800x64xf32, #tpu.memory_space<hbm>> -> memref<128x64xf32, #tpu.memory_space<hbm>>
        %dma_wait3A_316 = arith.constant 0 : i32
        %dma_wait3A_317 = arith.constant 0 : i32
        %dma_wait3A_318 = tpu.memref_slice %arg6[%dma_wait3A_307, %dma_wait3A_316, %dma_wait3A_317] : memref<4x128x64xf32, #tpu.memory_space<vmem>> -> memref<1x128x64xf32, #tpu.memory_space<vmem>>
        %dma_wait3A_319 = tpu.memref_squeeze %dma_wait3A_318 : memref<1x128x64xf32, #tpu.memory_space<vmem>> -> memref<128x64xf32, #tpu.memory_space<vmem>>
        tpu.wait_dma2 semaphore(%arg14 : memref<!tpu.dma_semaphore, #tpu.memory_space<semaphore_mem>>) src(%dma_wait3A_319 : memref<128x64xf32, #tpu.memory_space<vmem>>) dst(%dma_wait3A_315 : memref<128x64xf32, #tpu.memory_space<hbm>>)
      } else {
      }
      %lt3A_200 = arith.constant 48 : i32
      %lt3A_201 = arith.cmpi slt, %add3A_183, %lt3A_200 : i32
      %convert_element_type3A_202 = arith.extui %lt3A_201 : i1 to i32
      %cond3A_203 = arith.constant 0 : i32
      %cond3A_204 = arith.cmpi ne, %convert_element_type3A_202, %cond3A_203 : i32
      scf.if %cond3A_204 {
        %add3A_303 = arith.constant 2 : i32
        %add3A_304 = arith.addi %add3A_183, %add3A_303 : i32
        %dma_start3A_305 = arith.constant 3 : i32
        %dma_start3A_306 = arith.constant 0 : i32
        %dma_start3A_307 = arith.constant 0 : i32
        %dma_start3A_308 = tpu.memref_slice %arg6[%dma_start3A_305, %dma_start3A_306, %dma_start3A_307] : memref<4x128x64xf32, #tpu.memory_space<vmem>> -> memref<1x128x64xf32, #tpu.memory_space<vmem>>
        %dma_start3A_309 = tpu.memref_squeeze %dma_start3A_308 : memref<1x128x64xf32, #tpu.memory_space<vmem>> -> memref<128x64xf32, #tpu.memory_space<vmem>>
        %dma_start3A_310 = arith.constant 0 : i32
        %dma_start3A_311 = tpu.memref_slice %arg5[%add3A_304, %dma_start3A_310] : memref<50x128xi32, #tpu.memory_space<vmem>> -> memref<1x128xi32, #tpu.memory_space<vmem>>
        %dma_start3A_312 = tpu.memref_squeeze %dma_start3A_311 : memref<1x128xi32, #tpu.memory_space<vmem>> -> memref<128xi32, #tpu.memory_space<vmem>>
        %dma_start3A_313 = arith.constant 0 : i32
        %dma_start3A_314 = arith.constant 0 : i32
        %dma_start3A_315 = tpu.memref_slice %arg2[%dma_start3A_313, %dma_start3A_314] : memref<100000x64xf32, #tpu.memory_space<hbm>> -> memref<100000x64xf32, #tpu.memory_space<hbm>>
        tpu.enqueue_indirect_dma source(%dma_start3A_315 : memref<100000x64xf32, #tpu.memory_space<hbm>>) target(%dma_start3A_309 : memref<128x64xf32, #tpu.memory_space<vmem>>) offsets(%dma_start3A_312 : memref<128xi32, #tpu.memory_space<vmem>>) semaphore(%arg10 : memref<!tpu.dma_semaphore, #tpu.memory_space<semaphore_mem>>)
      } else {
      }
      %mul3A_205 = arith.constant 128 : i32
      %mul3A_206 = arith.muli %add3A_183, %mul3A_205 : i32
      %add3A_207 = arith.addi %mul3A_2, %mul3A_206 : i32
      %dma_start3A_208 = arith.constant 1 : i32
      %dma_start3A_209 = arith.constant 0 : i32
      %dma_start3A_210 = arith.constant 0 : i32
      %dma_start3A_211 = tpu.memref_slice %arg6[%dma_start3A_208, %dma_start3A_209, %dma_start3A_210] : memref<4x128x64xf32, #tpu.memory_space<vmem>> -> memref<1x128x64xf32, #tpu.memory_space<vmem>>
      %dma_start3A_212 = tpu.memref_squeeze %dma_start3A_211 : memref<1x128x64xf32, #tpu.memory_space<vmem>> -> memref<128x64xf32, #tpu.memory_space<vmem>>
      %dma_start3A_213 = arith.constant 0 : i32
      %dma_start3A_214 = tpu.memref_slice %arg4[%add3A_207, %dma_start3A_213] : memref<204800x64xf32, #tpu.memory_space<hbm>> -> memref<128x64xf32, #tpu.memory_space<hbm>>
      %dma_start3A_215 = arith.constant 0 : i32
      %dma_start3A_216 = tpu.memref_slice %arg4[%add3A_207, %dma_start3A_215] : memref<204800x64xf32, #tpu.memory_space<hbm>> -> memref<128x64xf32, #tpu.memory_space<hbm>>
      %dma_start3A_217 = arith.constant 0 : i32
      %dma_start3A_218 = arith.constant 0 : i32
      %dma_start3A_219 = tpu.memref_slice %arg6[%dma_start3A_208, %dma_start3A_217, %dma_start3A_218] : memref<4x128x64xf32, #tpu.memory_space<vmem>> -> memref<1x128x64xf32, #tpu.memory_space<vmem>>
      %dma_start3A_220 = tpu.memref_squeeze %dma_start3A_219 : memref<1x128x64xf32, #tpu.memory_space<vmem>> -> memref<128x64xf32, #tpu.memory_space<vmem>>
      tpu.enqueue_dma source(%dma_start3A_220 : memref<128x64xf32, #tpu.memory_space<vmem>>) target(%dma_start3A_216 : memref<128x64xf32, #tpu.memory_space<hbm>>) target_semaphore(%arg12 : memref<!tpu.dma_semaphore, #tpu.memory_space<semaphore_mem>>)
      %mul3A_221 = arith.constant 4 : i32
      %mul3A_222 = arith.muli %mul3A_221, %scan3A_144 : i32
      %add3A_223 = arith.constant 2 : i32
      %add3A_224 = arith.addi %mul3A_222, %add3A_223 : i32
      %dma_wait3A_225 = arith.constant 2 : i32
      %dma_wait3A_226 = arith.constant 0 : i32
      %dma_wait3A_227 = arith.constant 0 : i32
      %dma_wait3A_228 = tpu.memref_slice %arg6[%dma_wait3A_225, %dma_wait3A_226, %dma_wait3A_227] : memref<4x128x64xf32, #tpu.memory_space<vmem>> -> memref<1x128x64xf32, #tpu.memory_space<vmem>>
      %dma_wait3A_229 = tpu.memref_squeeze %dma_wait3A_228 : memref<1x128x64xf32, #tpu.memory_space<vmem>> -> memref<128x64xf32, #tpu.memory_space<vmem>>
      %dma_wait3A_230 = arith.constant 0 : i32
      %dma_wait3A_231 = tpu.memref_slice %arg5[%add3A_224, %dma_wait3A_230] : memref<50x128xi32, #tpu.memory_space<vmem>> -> memref<1x128xi32, #tpu.memory_space<vmem>>
      %dma_wait3A_232 = tpu.memref_squeeze %dma_wait3A_231 : memref<1x128xi32, #tpu.memory_space<vmem>> -> memref<128xi32, #tpu.memory_space<vmem>>
      %dma_wait3A_233 = arith.constant 0 : i32
      %dma_wait3A_234 = arith.constant 0 : i32
      %dma_wait3A_235 = tpu.memref_slice %arg2[%dma_wait3A_233, %dma_wait3A_234] : memref<100000x64xf32, #tpu.memory_space<hbm>> -> memref<100000x64xf32, #tpu.memory_space<hbm>>
      tpu.wait_indirect_dma semaphore(%arg9 : memref<!tpu.dma_semaphore, #tpu.memory_space<semaphore_mem>>) src(%dma_wait3A_235 : memref<100000x64xf32, #tpu.memory_space<hbm>>) dst(%dma_wait3A_229 : memref<128x64xf32, #tpu.memory_space<vmem>>)
      %ge3A_236 = arith.constant 2 : i32
      %ge3A_237 = arith.cmpi sge, %add3A_224, %ge3A_236 : i32
      %convert_element_type3A_238 = arith.extui %ge3A_237 : i1 to i32
      %cond3A_239 = arith.constant 0 : i32
      %cond3A_240 = arith.cmpi ne, %convert_element_type3A_238, %cond3A_239 : i32
      scf.if %cond3A_240 {
        %sub3A = arith.constant 2 : i32
        %sub3A_303 = arith.subi %add3A_224, %sub3A : i32
        %mul3A_304 = arith.constant 128 : i32
        %mul3A_305 = arith.muli %sub3A_303, %mul3A_304 : i32
        %add3A_306 = arith.addi %mul3A_2, %mul3A_305 : i32
        %dma_wait3A_307 = arith.constant 0 : i32
        %dma_wait3A_308 = arith.constant 0 : i32
        %dma_wait3A_309 = arith.constant 0 : i32
        %dma_wait3A_310 = tpu.memref_slice %arg6[%dma_wait3A_307, %dma_wait3A_308, %dma_wait3A_309] : memref<4x128x64xf32, #tpu.memory_space<vmem>> -> memref<1x128x64xf32, #tpu.memory_space<vmem>>
        %dma_wait3A_311 = tpu.memref_squeeze %dma_wait3A_310 : memref<1x128x64xf32, #tpu.memory_space<vmem>> -> memref<128x64xf32, #tpu.memory_space<vmem>>
        %dma_wait3A_312 = arith.constant 0 : i32
        %dma_wait3A_313 = tpu.memref_slice %arg4[%add3A_306, %dma_wait3A_312] : memref<204800x64xf32, #tpu.memory_space<hbm>> -> memref<128x64xf32, #tpu.memory_space<hbm>>
        %dma_wait3A_314 = arith.constant 0 : i32
        %dma_wait3A_315 = tpu.memref_slice %arg4[%add3A_306, %dma_wait3A_314] : memref<204800x64xf32, #tpu.memory_space<hbm>> -> memref<128x64xf32, #tpu.memory_space<hbm>>
        %dma_wait3A_316 = arith.constant 0 : i32
        %dma_wait3A_317 = arith.constant 0 : i32
        %dma_wait3A_318 = tpu.memref_slice %arg6[%dma_wait3A_307, %dma_wait3A_316, %dma_wait3A_317] : memref<4x128x64xf32, #tpu.memory_space<vmem>> -> memref<1x128x64xf32, #tpu.memory_space<vmem>>
        %dma_wait3A_319 = tpu.memref_squeeze %dma_wait3A_318 : memref<1x128x64xf32, #tpu.memory_space<vmem>> -> memref<128x64xf32, #tpu.memory_space<vmem>>
        tpu.wait_dma2 semaphore(%arg11 : memref<!tpu.dma_semaphore, #tpu.memory_space<semaphore_mem>>) src(%dma_wait3A_319 : memref<128x64xf32, #tpu.memory_space<vmem>>) dst(%dma_wait3A_315 : memref<128x64xf32, #tpu.memory_space<hbm>>)
      } else {
      }
      %lt3A_241 = arith.constant 48 : i32
      %lt3A_242 = arith.cmpi slt, %add3A_224, %lt3A_241 : i32
      %convert_element_type3A_243 = arith.extui %lt3A_242 : i1 to i32
      %cond3A_244 = arith.constant 0 : i32
      %cond3A_245 = arith.cmpi ne, %convert_element_type3A_243, %cond3A_244 : i32
      scf.if %cond3A_245 {
        %add3A_303 = arith.constant 2 : i32
        %add3A_304 = arith.addi %add3A_224, %add3A_303 : i32
        %dma_start3A_305 = arith.constant 0 : i32
        %dma_start3A_306 = arith.constant 0 : i32
        %dma_start3A_307 = arith.constant 0 : i32
        %dma_start3A_308 = tpu.memref_slice %arg6[%dma_start3A_305, %dma_start3A_306, %dma_start3A_307] : memref<4x128x64xf32, #tpu.memory_space<vmem>> -> memref<1x128x64xf32, #tpu.memory_space<vmem>>
        %dma_start3A_309 = tpu.memref_squeeze %dma_start3A_308 : memref<1x128x64xf32, #tpu.memory_space<vmem>> -> memref<128x64xf32, #tpu.memory_space<vmem>>
        %dma_start3A_310 = arith.constant 0 : i32
        %dma_start3A_311 = tpu.memref_slice %arg5[%add3A_304, %dma_start3A_310] : memref<50x128xi32, #tpu.memory_space<vmem>> -> memref<1x128xi32, #tpu.memory_space<vmem>>
        %dma_start3A_312 = tpu.memref_squeeze %dma_start3A_311 : memref<1x128xi32, #tpu.memory_space<vmem>> -> memref<128xi32, #tpu.memory_space<vmem>>
        %dma_start3A_313 = arith.constant 0 : i32
        %dma_start3A_314 = arith.constant 0 : i32
        %dma_start3A_315 = tpu.memref_slice %arg2[%dma_start3A_313, %dma_start3A_314] : memref<100000x64xf32, #tpu.memory_space<hbm>> -> memref<100000x64xf32, #tpu.memory_space<hbm>>
        tpu.enqueue_indirect_dma source(%dma_start3A_315 : memref<100000x64xf32, #tpu.memory_space<hbm>>) target(%dma_start3A_309 : memref<128x64xf32, #tpu.memory_space<vmem>>) offsets(%dma_start3A_312 : memref<128xi32, #tpu.memory_space<vmem>>) semaphore(%arg7 : memref<!tpu.dma_semaphore, #tpu.memory_space<semaphore_mem>>)
      } else {
      }
      %mul3A_246 = arith.constant 128 : i32
      %mul3A_247 = arith.muli %add3A_224, %mul3A_246 : i32
      %add3A_248 = arith.addi %mul3A_2, %mul3A_247 : i32
      %dma_start3A_249 = arith.constant 2 : i32
      %dma_start3A_250 = arith.constant 0 : i32
      %dma_start3A_251 = arith.constant 0 : i32
      %dma_start3A_252 = tpu.memref_slice %arg6[%dma_start3A_249, %dma_start3A_250, %dma_start3A_251] : memref<4x128x64xf32, #tpu.memory_space<vmem>> -> memref<1x128x64xf32, #tpu.memory_space<vmem>>
      %dma_start3A_253 = tpu.memref_squeeze %dma_start3A_252 : memref<1x128x64xf32, #tpu.memory_space<vmem>> -> memref<128x64xf32, #tpu.memory_space<vmem>>
      %dma_start3A_254 = arith.constant 0 : i32
      %dma_start3A_255 = tpu.memref_slice %arg4[%add3A_248, %dma_start3A_254] : memref<204800x64xf32, #tpu.memory_space<hbm>> -> memref<128x64xf32, #tpu.memory_space<hbm>>
      %dma_start3A_256 = arith.constant 0 : i32
      %dma_start3A_257 = tpu.memref_slice %arg4[%add3A_248, %dma_start3A_256] : memref<204800x64xf32, #tpu.memory_space<hbm>> -> memref<128x64xf32, #tpu.memory_space<hbm>>
      %dma_start3A_258 = arith.constant 0 : i32
      %dma_start3A_259 = arith.constant 0 : i32
      %dma_start3A_260 = tpu.memref_slice %arg6[%dma_start3A_249, %dma_start3A_258, %dma_start3A_259] : memref<4x128x64xf32, #tpu.memory_space<vmem>> -> memref<1x128x64xf32, #tpu.memory_space<vmem>>
      %dma_start3A_261 = tpu.memref_squeeze %dma_start3A_260 : memref<1x128x64xf32, #tpu.memory_space<vmem>> -> memref<128x64xf32, #tpu.memory_space<vmem>>
      tpu.enqueue_dma source(%dma_start3A_261 : memref<128x64xf32, #tpu.memory_space<vmem>>) target(%dma_start3A_257 : memref<128x64xf32, #tpu.memory_space<hbm>>) target_semaphore(%arg13 : memref<!tpu.dma_semaphore, #tpu.memory_space<semaphore_mem>>)
      %mul3A_262 = arith.constant 4 : i32
      %mul3A_263 = arith.muli %mul3A_262, %scan3A_144 : i32
      %add3A_264 = arith.constant 3 : i32
      %add3A_265 = arith.addi %mul3A_263, %add3A_264 : i32
      %dma_wait3A_266 = arith.constant 3 : i32
      %dma_wait3A_267 = arith.constant 0 : i32
      %dma_wait3A_268 = arith.constant 0 : i32
      %dma_wait3A_269 = tpu.memref_slice %arg6[%dma_wait3A_266, %dma_wait3A_267, %dma_wait3A_268] : memref<4x128x64xf32, #tpu.memory_space<vmem>> -> memref<1x128x64xf32, #tpu.memory_space<vmem>>
      %dma_wait3A_270 = tpu.memref_squeeze %dma_wait3A_269 : memref<1x128x64xf32, #tpu.memory_space<vmem>> -> memref<128x64xf32, #tpu.memory_space<vmem>>
      %dma_wait3A_271 = arith.constant 0 : i32
      %dma_wait3A_272 = tpu.memref_slice %arg5[%add3A_265, %dma_wait3A_271] : memref<50x128xi32, #tpu.memory_space<vmem>> -> memref<1x128xi32, #tpu.memory_space<vmem>>
      %dma_wait3A_273 = tpu.memref_squeeze %dma_wait3A_272 : memref<1x128xi32, #tpu.memory_space<vmem>> -> memref<128xi32, #tpu.memory_space<vmem>>
      %dma_wait3A_274 = arith.constant 0 : i32
      %dma_wait3A_275 = arith.constant 0 : i32
      %dma_wait3A_276 = tpu.memref_slice %arg2[%dma_wait3A_274, %dma_wait3A_275] : memref<100000x64xf32, #tpu.memory_space<hbm>> -> memref<100000x64xf32, #tpu.memory_space<hbm>>
      tpu.wait_indirect_dma semaphore(%arg10 : memref<!tpu.dma_semaphore, #tpu.memory_space<semaphore_mem>>) src(%dma_wait3A_276 : memref<100000x64xf32, #tpu.memory_space<hbm>>) dst(%dma_wait3A_270 : memref<128x64xf32, #tpu.memory_space<vmem>>)
      %ge3A_277 = arith.constant 2 : i32
      %ge3A_278 = arith.cmpi sge, %add3A_265, %ge3A_277 : i32
      %convert_element_type3A_279 = arith.extui %ge3A_278 : i1 to i32
      %cond3A_280 = arith.constant 0 : i32
      %cond3A_281 = arith.cmpi ne, %convert_element_type3A_279, %cond3A_280 : i32
      scf.if %cond3A_281 {
        %sub3A = arith.constant 2 : i32
        %sub3A_303 = arith.subi %add3A_265, %sub3A : i32
        %mul3A_304 = arith.constant 128 : i32
        %mul3A_305 = arith.muli %sub3A_303, %mul3A_304 : i32
        %add3A_306 = arith.addi %mul3A_2, %mul3A_305 : i32
        %dma_wait3A_307 = arith.constant 1 : i32
        %dma_wait3A_308 = arith.constant 0 : i32
        %dma_wait3A_309 = arith.constant 0 : i32
        %dma_wait3A_310 = tpu.memref_slice %arg6[%dma_wait3A_307, %dma_wait3A_308, %dma_wait3A_309] : memref<4x128x64xf32, #tpu.memory_space<vmem>> -> memref<1x128x64xf32, #tpu.memory_space<vmem>>
        %dma_wait3A_311 = tpu.memref_squeeze %dma_wait3A_310 : memref<1x128x64xf32, #tpu.memory_space<vmem>> -> memref<128x64xf32, #tpu.memory_space<vmem>>
        %dma_wait3A_312 = arith.constant 0 : i32
        %dma_wait3A_313 = tpu.memref_slice %arg4[%add3A_306, %dma_wait3A_312] : memref<204800x64xf32, #tpu.memory_space<hbm>> -> memref<128x64xf32, #tpu.memory_space<hbm>>
        %dma_wait3A_314 = arith.constant 0 : i32
        %dma_wait3A_315 = tpu.memref_slice %arg4[%add3A_306, %dma_wait3A_314] : memref<204800x64xf32, #tpu.memory_space<hbm>> -> memref<128x64xf32, #tpu.memory_space<hbm>>
        %dma_wait3A_316 = arith.constant 0 : i32
        %dma_wait3A_317 = arith.constant 0 : i32
        %dma_wait3A_318 = tpu.memref_slice %arg6[%dma_wait3A_307, %dma_wait3A_316, %dma_wait3A_317] : memref<4x128x64xf32, #tpu.memory_space<vmem>> -> memref<1x128x64xf32, #tpu.memory_space<vmem>>
        %dma_wait3A_319 = tpu.memref_squeeze %dma_wait3A_318 : memref<1x128x64xf32, #tpu.memory_space<vmem>> -> memref<128x64xf32, #tpu.memory_space<vmem>>
        tpu.wait_dma2 semaphore(%arg12 : memref<!tpu.dma_semaphore, #tpu.memory_space<semaphore_mem>>) src(%dma_wait3A_319 : memref<128x64xf32, #tpu.memory_space<vmem>>) dst(%dma_wait3A_315 : memref<128x64xf32, #tpu.memory_space<hbm>>)
      } else {
      }
      %lt3A_282 = arith.constant 48 : i32
      %lt3A_283 = arith.cmpi slt, %add3A_265, %lt3A_282 : i32
      %convert_element_type3A_284 = arith.extui %lt3A_283 : i1 to i32
      %cond3A_285 = arith.constant 0 : i32
      %cond3A_286 = arith.cmpi ne, %convert_element_type3A_284, %cond3A_285 : i32
      scf.if %cond3A_286 {
        %add3A_303 = arith.constant 2 : i32
        %add3A_304 = arith.addi %add3A_265, %add3A_303 : i32
        %dma_start3A_305 = arith.constant 1 : i32
        %dma_start3A_306 = arith.constant 0 : i32
        %dma_start3A_307 = arith.constant 0 : i32
        %dma_start3A_308 = tpu.memref_slice %arg6[%dma_start3A_305, %dma_start3A_306, %dma_start3A_307] : memref<4x128x64xf32, #tpu.memory_space<vmem>> -> memref<1x128x64xf32, #tpu.memory_space<vmem>>
        %dma_start3A_309 = tpu.memref_squeeze %dma_start3A_308 : memref<1x128x64xf32, #tpu.memory_space<vmem>> -> memref<128x64xf32, #tpu.memory_space<vmem>>
        %dma_start3A_310 = arith.constant 0 : i32
        %dma_start3A_311 = tpu.memref_slice %arg5[%add3A_304, %dma_start3A_310] : memref<50x128xi32, #tpu.memory_space<vmem>> -> memref<1x128xi32, #tpu.memory_space<vmem>>
        %dma_start3A_312 = tpu.memref_squeeze %dma_start3A_311 : memref<1x128xi32, #tpu.memory_space<vmem>> -> memref<128xi32, #tpu.memory_space<vmem>>
        %dma_start3A_313 = arith.constant 0 : i32
        %dma_start3A_314 = arith.constant 0 : i32
        %dma_start3A_315 = tpu.memref_slice %arg2[%dma_start3A_313, %dma_start3A_314] : memref<100000x64xf32, #tpu.memory_space<hbm>> -> memref<100000x64xf32, #tpu.memory_space<hbm>>
        tpu.enqueue_indirect_dma source(%dma_start3A_315 : memref<100000x64xf32, #tpu.memory_space<hbm>>) target(%dma_start3A_309 : memref<128x64xf32, #tpu.memory_space<vmem>>) offsets(%dma_start3A_312 : memref<128xi32, #tpu.memory_space<vmem>>) semaphore(%arg8 : memref<!tpu.dma_semaphore, #tpu.memory_space<semaphore_mem>>)
      } else {
      }
      %mul3A_287 = arith.constant 128 : i32
      %mul3A_288 = arith.muli %add3A_265, %mul3A_287 : i32
      %add3A_289 = arith.addi %mul3A_2, %mul3A_288 : i32
      %dma_start3A_290 = arith.constant 3 : i32
      %dma_start3A_291 = arith.constant 0 : i32
      %dma_start3A_292 = arith.constant 0 : i32
      %dma_start3A_293 = tpu.memref_slice %arg6[%dma_start3A_290, %dma_start3A_291, %dma_start3A_292] : memref<4x128x64xf32, #tpu.memory_space<vmem>> -> memref<1x128x64xf32, #tpu.memory_space<vmem>>
      %dma_start3A_294 = tpu.memref_squeeze %dma_start3A_293 : memref<1x128x64xf32, #tpu.memory_space<vmem>> -> memref<128x64xf32, #tpu.memory_space<vmem>>
      %dma_start3A_295 = arith.constant 0 : i32
      %dma_start3A_296 = tpu.memref_slice %arg4[%add3A_289, %dma_start3A_295] : memref<204800x64xf32, #tpu.memory_space<hbm>> -> memref<128x64xf32, #tpu.memory_space<hbm>>
      %dma_start3A_297 = arith.constant 0 : i32
      %dma_start3A_298 = tpu.memref_slice %arg4[%add3A_289, %dma_start3A_297] : memref<204800x64xf32, #tpu.memory_space<hbm>> -> memref<128x64xf32, #tpu.memory_space<hbm>>
      %dma_start3A_299 = arith.constant 0 : i32
      %dma_start3A_300 = arith.constant 0 : i32
      %dma_start3A_301 = tpu.memref_slice %arg6[%dma_start3A_290, %dma_start3A_299, %dma_start3A_300] : memref<4x128x64xf32, #tpu.memory_space<vmem>> -> memref<1x128x64xf32, #tpu.memory_space<vmem>>
      %dma_start3A_302 = tpu.memref_squeeze %dma_start3A_301 : memref<1x128x64xf32, #tpu.memory_space<vmem>> -> memref<128x64xf32, #tpu.memory_space<vmem>>
      tpu.enqueue_dma source(%dma_start3A_302 : memref<128x64xf32, #tpu.memory_space<vmem>>) target(%dma_start3A_298 : memref<128x64xf32, #tpu.memory_space<hbm>>) target_semaphore(%arg14 : memref<!tpu.dma_semaphore, #tpu.memory_space<semaphore_mem>>)
    }
    %scan3A_30 = arith.constant 12 : i32
    %dma_wait3A = arith.constant 48 : i32
    %dma_wait3A_31 = arith.constant 0 : i32
    %dma_wait3A_32 = arith.constant 0 : i32
    %dma_wait3A_33 = arith.constant 0 : i32
    %dma_wait3A_34 = tpu.memref_slice %arg6[%dma_wait3A_31, %dma_wait3A_32, %dma_wait3A_33] : memref<4x128x64xf32, #tpu.memory_space<vmem>> -> memref<1x128x64xf32, #tpu.memory_space<vmem>>
    %dma_wait3A_35 = tpu.memref_squeeze %dma_wait3A_34 : memref<1x128x64xf32, #tpu.memory_space<vmem>> -> memref<128x64xf32, #tpu.memory_space<vmem>>
    %dma_wait3A_36 = arith.constant 0 : i32
    %dma_wait3A_37 = tpu.memref_slice %arg5[%dma_wait3A, %dma_wait3A_36] : memref<50x128xi32, #tpu.memory_space<vmem>> -> memref<1x128xi32, #tpu.memory_space<vmem>>
    %dma_wait3A_38 = tpu.memref_squeeze %dma_wait3A_37 : memref<1x128xi32, #tpu.memory_space<vmem>> -> memref<128xi32, #tpu.memory_space<vmem>>
    %dma_wait3A_39 = arith.constant 0 : i32
    %dma_wait3A_40 = arith.constant 0 : i32
    %dma_wait3A_41 = tpu.memref_slice %arg2[%dma_wait3A_39, %dma_wait3A_40] : memref<100000x64xf32, #tpu.memory_space<hbm>> -> memref<100000x64xf32, #tpu.memory_space<hbm>>
    tpu.wait_indirect_dma semaphore(%arg7 : memref<!tpu.dma_semaphore, #tpu.memory_space<semaphore_mem>>) src(%dma_wait3A_41 : memref<100000x64xf32, #tpu.memory_space<hbm>>) dst(%dma_wait3A_35 : memref<128x64xf32, #tpu.memory_space<vmem>>)
    %add3A_42 = arith.constant 5888 : i32
    %add3A_43 = arith.addi %mul3A_2, %add3A_42 : i32
    %dma_wait3A_44 = arith.constant 2 : i32
    %dma_wait3A_45 = arith.constant 0 : i32
    %dma_wait3A_46 = arith.constant 0 : i32
    %dma_wait3A_47 = tpu.memref_slice %arg6[%dma_wait3A_44, %dma_wait3A_45, %dma_wait3A_46] : memref<4x128x64xf32, #tpu.memory_space<vmem>> -> memref<1x128x64xf32, #tpu.memory_space<vmem>>
    %dma_wait3A_48 = tpu.memref_squeeze %dma_wait3A_47 : memref<1x128x64xf32, #tpu.memory_space<vmem>> -> memref<128x64xf32, #tpu.memory_space<vmem>>
    %dma_wait3A_49 = arith.constant 0 : i32
    %dma_wait3A_50 = tpu.memref_slice %arg4[%add3A_43, %dma_wait3A_49] : memref<204800x64xf32, #tpu.memory_space<hbm>> -> memref<128x64xf32, #tpu.memory_space<hbm>>
    %dma_wait3A_51 = arith.constant 0 : i32
    %dma_wait3A_52 = tpu.memref_slice %arg4[%add3A_43, %dma_wait3A_51] : memref<204800x64xf32, #tpu.memory_space<hbm>> -> memref<128x64xf32, #tpu.memory_space<hbm>>
    %dma_wait3A_53 = arith.constant 0 : i32
    %dma_wait3A_54 = arith.constant 0 : i32
    %dma_wait3A_55 = tpu.memref_slice %arg6[%dma_wait3A_44, %dma_wait3A_53, %dma_wait3A_54] : memref<4x128x64xf32, #tpu.memory_space<vmem>> -> memref<1x128x64xf32, #tpu.memory_space<vmem>>
    %dma_wait3A_56 = tpu.memref_squeeze %dma_wait3A_55 : memref<1x128x64xf32, #tpu.memory_space<vmem>> -> memref<128x64xf32, #tpu.memory_space<vmem>>
    tpu.wait_dma2 semaphore(%arg13 : memref<!tpu.dma_semaphore, #tpu.memory_space<semaphore_mem>>) src(%dma_wait3A_56 : memref<128x64xf32, #tpu.memory_space<vmem>>) dst(%dma_wait3A_52 : memref<128x64xf32, #tpu.memory_space<hbm>>)
    %add3A_57 = arith.constant 6144 : i32
    %add3A_58 = arith.addi %mul3A_2, %add3A_57 : i32
    %dma_start3A_59 = arith.constant 0 : i32
    %dma_start3A_60 = arith.constant 0 : i32
    %dma_start3A_61 = arith.constant 0 : i32
    %dma_start3A_62 = tpu.memref_slice %arg6[%dma_start3A_59, %dma_start3A_60, %dma_start3A_61] : memref<4x128x64xf32, #tpu.memory_space<vmem>> -> memref<1x128x64xf32, #tpu.memory_space<vmem>>
    %dma_start3A_63 = tpu.memref_squeeze %dma_start3A_62 : memref<1x128x64xf32, #tpu.memory_space<vmem>> -> memref<128x64xf32, #tpu.memory_space<vmem>>
    %dma_start3A_64 = arith.constant 0 : i32
    %dma_start3A_65 = tpu.memref_slice %arg4[%add3A_58, %dma_start3A_64] : memref<204800x64xf32, #tpu.memory_space<hbm>> -> memref<128x64xf32, #tpu.memory_space<hbm>>
    %dma_start3A_66 = arith.constant 0 : i32
    %dma_start3A_67 = tpu.memref_slice %arg4[%add3A_58, %dma_start3A_66] : memref<204800x64xf32, #tpu.memory_space<hbm>> -> memref<128x64xf32, #tpu.memory_space<hbm>>
    %dma_start3A_68 = arith.constant 0 : i32
    %dma_start3A_69 = arith.constant 0 : i32
    %dma_start3A_70 = tpu.memref_slice %arg6[%dma_start3A_59, %dma_start3A_68, %dma_start3A_69] : memref<4x128x64xf32, #tpu.memory_space<vmem>> -> memref<1x128x64xf32, #tpu.memory_space<vmem>>
    %dma_start3A_71 = tpu.memref_squeeze %dma_start3A_70 : memref<1x128x64xf32, #tpu.memory_space<vmem>> -> memref<128x64xf32, #tpu.memory_space<vmem>>
    tpu.enqueue_dma source(%dma_start3A_71 : memref<128x64xf32, #tpu.memory_space<vmem>>) target(%dma_start3A_67 : memref<128x64xf32, #tpu.memory_space<hbm>>) target_semaphore(%arg11 : memref<!tpu.dma_semaphore, #tpu.memory_space<semaphore_mem>>)
    %dma_wait3A_72 = arith.constant 49 : i32
    %dma_wait3A_73 = arith.constant 1 : i32
    %dma_wait3A_74 = arith.constant 0 : i32
    %dma_wait3A_75 = arith.constant 0 : i32
    %dma_wait3A_76 = tpu.memref_slice %arg6[%dma_wait3A_73, %dma_wait3A_74, %dma_wait3A_75] : memref<4x128x64xf32, #tpu.memory_space<vmem>> -> memref<1x128x64xf32, #tpu.memory_space<vmem>>
    %dma_wait3A_77 = tpu.memref_squeeze %dma_wait3A_76 : memref<1x128x64xf32, #tpu.memory_space<vmem>> -> memref<128x64xf32, #tpu.memory_space<vmem>>
    %dma_wait3A_78 = arith.constant 0 : i32
    %dma_wait3A_79 = tpu.memref_slice %arg5[%dma_wait3A_72, %dma_wait3A_78] : memref<50x128xi32, #tpu.memory_space<vmem>> -> memref<1x128xi32, #tpu.memory_space<vmem>>
    %dma_wait3A_80 = tpu.memref_squeeze %dma_wait3A_79 : memref<1x128xi32, #tpu.memory_space<vmem>> -> memref<128xi32, #tpu.memory_space<vmem>>
    %dma_wait3A_81 = arith.constant 0 : i32
    %dma_wait3A_82 = arith.constant 0 : i32
    %dma_wait3A_83 = tpu.memref_slice %arg2[%dma_wait3A_81, %dma_wait3A_82] : memref<100000x64xf32, #tpu.memory_space<hbm>> -> memref<100000x64xf32, #tpu.memory_space<hbm>>
    tpu.wait_indirect_dma semaphore(%arg8 : memref<!tpu.dma_semaphore, #tpu.memory_space<semaphore_mem>>) src(%dma_wait3A_83 : memref<100000x64xf32, #tpu.memory_space<hbm>>) dst(%dma_wait3A_77 : memref<128x64xf32, #tpu.memory_space<vmem>>)
    %add3A_84 = arith.constant 6016 : i32
    %add3A_85 = arith.addi %mul3A_2, %add3A_84 : i32
    %dma_wait3A_86 = arith.constant 3 : i32
    %dma_wait3A_87 = arith.constant 0 : i32
    %dma_wait3A_88 = arith.constant 0 : i32
    %dma_wait3A_89 = tpu.memref_slice %arg6[%dma_wait3A_86, %dma_wait3A_87, %dma_wait3A_88] : memref<4x128x64xf32, #tpu.memory_space<vmem>> -> memref<1x128x64xf32, #tpu.memory_space<vmem>>
    %dma_wait3A_90 = tpu.memref_squeeze %dma_wait3A_89 : memref<1x128x64xf32, #tpu.memory_space<vmem>> -> memref<128x64xf32, #tpu.memory_space<vmem>>
    %dma_wait3A_91 = arith.constant 0 : i32
    %dma_wait3A_92 = tpu.memref_slice %arg4[%add3A_85, %dma_wait3A_91] : memref<204800x64xf32, #tpu.memory_space<hbm>> -> memref<128x64xf32, #tpu.memory_space<hbm>>
    %dma_wait3A_93 = arith.constant 0 : i32
    %dma_wait3A_94 = tpu.memref_slice %arg4[%add3A_85, %dma_wait3A_93] : memref<204800x64xf32, #tpu.memory_space<hbm>> -> memref<128x64xf32, #tpu.memory_space<hbm>>
    %dma_wait3A_95 = arith.constant 0 : i32
    %dma_wait3A_96 = arith.constant 0 : i32
    %dma_wait3A_97 = tpu.memref_slice %arg6[%dma_wait3A_86, %dma_wait3A_95, %dma_wait3A_96] : memref<4x128x64xf32, #tpu.memory_space<vmem>> -> memref<1x128x64xf32, #tpu.memory_space<vmem>>
    %dma_wait3A_98 = tpu.memref_squeeze %dma_wait3A_97 : memref<1x128x64xf32, #tpu.memory_space<vmem>> -> memref<128x64xf32, #tpu.memory_space<vmem>>
    tpu.wait_dma2 semaphore(%arg14 : memref<!tpu.dma_semaphore, #tpu.memory_space<semaphore_mem>>) src(%dma_wait3A_98 : memref<128x64xf32, #tpu.memory_space<vmem>>) dst(%dma_wait3A_94 : memref<128x64xf32, #tpu.memory_space<hbm>>)
    %add3A_99 = arith.constant 6272 : i32
    %add3A_100 = arith.addi %mul3A_2, %add3A_99 : i32
    %dma_start3A_101 = arith.constant 1 : i32
    %dma_start3A_102 = arith.constant 0 : i32
    %dma_start3A_103 = arith.constant 0 : i32
    %dma_start3A_104 = tpu.memref_slice %arg6[%dma_start3A_101, %dma_start3A_102, %dma_start3A_103] : memref<4x128x64xf32, #tpu.memory_space<vmem>> -> memref<1x128x64xf32, #tpu.memory_space<vmem>>
    %dma_start3A_105 = tpu.memref_squeeze %dma_start3A_104 : memref<1x128x64xf32, #tpu.memory_space<vmem>> -> memref<128x64xf32, #tpu.memory_space<vmem>>
    %dma_start3A_106 = arith.constant 0 : i32
    %dma_start3A_107 = tpu.memref_slice %arg4[%add3A_100, %dma_start3A_106] : memref<204800x64xf32, #tpu.memory_space<hbm>> -> memref<128x64xf32, #tpu.memory_space<hbm>>
    %dma_start3A_108 = arith.constant 0 : i32
    %dma_start3A_109 = tpu.memref_slice %arg4[%add3A_100, %dma_start3A_108] : memref<204800x64xf32, #tpu.memory_space<hbm>> -> memref<128x64xf32, #tpu.memory_space<hbm>>
    %dma_start3A_110 = arith.constant 0 : i32
    %dma_start3A_111 = arith.constant 0 : i32
    %dma_start3A_112 = tpu.memref_slice %arg6[%dma_start3A_101, %dma_start3A_110, %dma_start3A_111] : memref<4x128x64xf32, #tpu.memory_space<vmem>> -> memref<1x128x64xf32, #tpu.memory_space<vmem>>
    %dma_start3A_113 = tpu.memref_squeeze %dma_start3A_112 : memref<1x128x64xf32, #tpu.memory_space<vmem>> -> memref<128x64xf32, #tpu.memory_space<vmem>>
    tpu.enqueue_dma source(%dma_start3A_113 : memref<128x64xf32, #tpu.memory_space<vmem>>) target(%dma_start3A_109 : memref<128x64xf32, #tpu.memory_space<hbm>>) target_semaphore(%arg12 : memref<!tpu.dma_semaphore, #tpu.memory_space<semaphore_mem>>)
    %add3A_114 = arith.constant 6144 : i32
    %add3A_115 = arith.addi %mul3A_2, %add3A_114 : i32
    %dma_wait3A_116 = arith.constant 0 : i32
    %dma_wait3A_117 = arith.constant 0 : i32
    %dma_wait3A_118 = arith.constant 0 : i32
    %dma_wait3A_119 = tpu.memref_slice %arg6[%dma_wait3A_116, %dma_wait3A_117, %dma_wait3A_118] : memref<4x128x64xf32, #tpu.memory_space<vmem>> -> memref<1x128x64xf32, #tpu.memory_space<vmem>>
    %dma_wait3A_120 = tpu.memref_squeeze %dma_wait3A_119 : memref<1x128x64xf32, #tpu.memory_space<vmem>> -> memref<128x64xf32, #tpu.memory_space<vmem>>
    %dma_wait3A_121 = arith.constant 0 : i32
    %dma_wait3A_122 = tpu.memref_slice %arg4[%add3A_115, %dma_wait3A_121] : memref<204800x64xf32, #tpu.memory_space<hbm>> -> memref<128x64xf32, #tpu.memory_space<hbm>>
    %dma_wait3A_123 = arith.constant 0 : i32
    %dma_wait3A_124 = tpu.memref_slice %arg4[%add3A_115, %dma_wait3A_123] : memref<204800x64xf32, #tpu.memory_space<hbm>> -> memref<128x64xf32, #tpu.memory_space<hbm>>
    %dma_wait3A_125 = arith.constant 0 : i32
    %dma_wait3A_126 = arith.constant 0 : i32
    %dma_wait3A_127 = tpu.memref_slice %arg6[%dma_wait3A_116, %dma_wait3A_125, %dma_wait3A_126] : memref<4x128x64xf32, #tpu.memory_space<vmem>> -> memref<1x128x64xf32, #tpu.memory_space<vmem>>
    %dma_wait3A_128 = tpu.memref_squeeze %dma_wait3A_127 : memref<1x128x64xf32, #tpu.memory_space<vmem>> -> memref<128x64xf32, #tpu.memory_space<vmem>>
    tpu.wait_dma2 semaphore(%arg11 : memref<!tpu.dma_semaphore, #tpu.memory_space<semaphore_mem>>) src(%dma_wait3A_128 : memref<128x64xf32, #tpu.memory_space<vmem>>) dst(%dma_wait3A_124 : memref<128x64xf32, #tpu.memory_space<hbm>>)
    %add3A_129 = arith.constant 6272 : i32
    %add3A_130 = arith.addi %mul3A_2, %add3A_129 : i32
    %dma_wait3A_131 = arith.constant 1 : i32
    %dma_wait3A_132 = arith.constant 0 : i32
    %dma_wait3A_133 = arith.constant 0 : i32
    %dma_wait3A_134 = tpu.memref_slice %arg6[%dma_wait3A_131, %dma_wait3A_132, %dma_wait3A_133] : memref<4x128x64xf32, #tpu.memory_space<vmem>> -> memref<1x128x64xf32, #tpu.memory_space<vmem>>
    %dma_wait3A_135 = tpu.memref_squeeze %dma_wait3A_134 : memref<1x128x64xf32, #tpu.memory_space<vmem>> -> memref<128x64xf32, #tpu.memory_space<vmem>>
    %dma_wait3A_136 = arith.constant 0 : i32
    %dma_wait3A_137 = tpu.memref_slice %arg4[%add3A_130, %dma_wait3A_136] : memref<204800x64xf32, #tpu.memory_space<hbm>> -> memref<128x64xf32, #tpu.memory_space<hbm>>
    %dma_wait3A_138 = arith.constant 0 : i32
    %dma_wait3A_139 = tpu.memref_slice %arg4[%add3A_130, %dma_wait3A_138] : memref<204800x64xf32, #tpu.memory_space<hbm>> -> memref<128x64xf32, #tpu.memory_space<hbm>>
    %dma_wait3A_140 = arith.constant 0 : i32
    %dma_wait3A_141 = arith.constant 0 : i32
    %dma_wait3A_142 = tpu.memref_slice %arg6[%dma_wait3A_131, %dma_wait3A_140, %dma_wait3A_141] : memref<4x128x64xf32, #tpu.memory_space<vmem>> -> memref<1x128x64xf32, #tpu.memory_space<vmem>>
    %dma_wait3A_143 = tpu.memref_squeeze %dma_wait3A_142 : memref<1x128x64xf32, #tpu.memory_space<vmem>> -> memref<128x64xf32, #tpu.memory_space<vmem>>
    tpu.wait_dma2 semaphore(%arg12 : memref<!tpu.dma_semaphore, #tpu.memory_space<semaphore_mem>>) src(%dma_wait3A_143 : memref<128x64xf32, #tpu.memory_space<vmem>>) dst(%dma_wait3A_139 : memref<128x64xf32, #tpu.memory_space<hbm>>)
    return
  }
}

module attributes {stable_mosaic.version = 14 : i64} {
  func.func @_proj_body(%arg0: i32, %arg1: memref<2000x128xf32, #tpu.memory_space<vmem>>, %arg2: memref<128x128xf32, #tpu.memory_space<vmem>>, %arg3: memref<1x128xf32, #tpu.memory_space<vmem>>, %arg4: memref<2000x128xf32, #tpu.memory_space<vmem>>) attributes {dimension_semantics = [#tpu.dimension_semantics<arbitrary>], iteration_bounds = array<i64: 25>, scalar_prefetch = 0 : i64, scratch_operands = 0 : i64, tpu.core_type = #tpu.core_type<tc>, window_params = [{transform_indices = @transform_0, window_bounds = array<i64: 2000, 128>}, {pipeline_mode = #tpu.pipeline_mode<synchronous>, transform_indices = @transform_1, window_bounds = array<i64: 128, 128>}, {pipeline_mode = #tpu.pipeline_mode<synchronous>, transform_indices = @transform_2, window_bounds = array<i64: 1, 128>}, {transform_indices = @transform_3, window_bounds = array<i64: 2000, 128>}]} {
    %get3A = arith.constant 0 : index
    %get3A_0 = arith.constant 0 : index
    %get3A_1 = vector.load %arg1[%get3A, %get3A_0] : memref<2000x128xf32, #tpu.memory_space<vmem>>, vector<2000x128xf32>
    %get3A_2 = arith.constant 0 : index
    %get3A_3 = arith.constant 0 : index
    %get3A_4 = vector.load %arg2[%get3A_2, %get3A_3] : memref<128x128xf32, #tpu.memory_space<vmem>>, vector<128x128xf32>
    %dot_general3A = arith.constant dense<0.000000e+00> : vector<2000x128xf32>
    %dot_general3A_5 = tpu.matmul %get3A_1, %get3A_4, %dot_general3A {dimension_numbers = #tpu.dot_dimension_numbers<[1], [0], [0], [1], [0, 0, 1, 1], [], []>, transpose_lhs_hint = false} : vector<2000x128xf32>, vector<128x128xf32>, vector<2000x128xf32> -> vector<2000x128xf32>
    %get3A_6 = arith.constant 0 : index
    %get3A_7 = arith.constant 0 : index
    %get3A_8 = vector.load %arg3[%get3A_6, %get3A_7] : memref<1x128xf32, #tpu.memory_space<vmem>>, vector<1x128xf32>
    %add3A = vector.broadcast %get3A_8 : vector<1x128xf32> to vector<2000x128xf32>
    %add3A_9 = arith.addf %dot_general3A_5, %add3A : vector<2000x128xf32>
    %swap3A = arith.constant 0 : index
    %swap3A_10 = arith.constant 0 : index
    %swap3A_11 = vector.load %arg4[%swap3A, %swap3A_10] : memref<2000x128xf32, #tpu.memory_space<vmem>>, vector<2000x128xf32>
    tpu.vector_store %arg4[%swap3A, %swap3A_10], %add3A_9 {strides = array<i32>} : memref<2000x128xf32, #tpu.memory_space<vmem>>, vector<2000x128xf32>,
    return
  }
  func.func @transform_0(%arg0: i32) -> (i32, i32) {
    %c0_i32 = arith.constant 0 : i32
    %c0_i32_0 = arith.constant 0 : i32
    return %arg0, %c0_i32 : i32, i32
  }
  func.func @transform_1(%arg0: i32) -> (i32, i32) {
    %c0_i32 = arith.constant 0 : i32
    %c0_i32_0 = arith.constant 0 : i32
    %c0_i32_1 = arith.constant 0 : i32
    return %c0_i32, %c0_i32_0 : i32, i32
  }
  func.func @transform_2(%arg0: i32) -> (i32, i32) {
    %c0_i32 = arith.constant 0 : i32
    %c0_i32_0 = arith.constant 0 : i32
    %c0_i32_1 = arith.constant 0 : i32
    return %c0_i32, %c0_i32_0 : i32, i32
  }
  func.func @transform_3(%arg0: i32) -> (i32, i32) {
    %c0_i32 = arith.constant 0 : i32
    %c0_i32_0 = arith.constant 0 : i32
    return %arg0, %c0_i32 : i32, i32
  }
}

module attributes {stable_mosaic.version = 14 : i64} {
  func.func @_trans_body(%arg0: i32, %arg1: memref<6400x128xf32, #tpu.memory_space<vmem>>, %arg2: memref<256x256xf32, #tpu.memory_space<vmem>>, %arg3: memref<50x64x256xf32, #tpu.memory_space<vmem>>) attributes {dimension_semantics = [#tpu.dimension_semantics<arbitrary>], iteration_bounds = array<i64: 16>, scalar_prefetch = 0 : i64, scratch_operands = 0 : i64, tpu.core_type = #tpu.core_type<tc>, window_params = [{transform_indices = @transform_0, window_bounds = array<i64: 6400, 128>}, {pipeline_mode = #tpu.pipeline_mode<synchronous>, transform_indices = @transform_1, window_bounds = array<i64: 256, 256>}, {transform_indices = @transform_2, window_bounds = array<i64: 50, 64, 256>}]} {
    %get3A = arith.constant 0 : index
    %get3A_0 = arith.constant 0 : index
    %get3A_1 = vector.load %arg2[%get3A, %get3A_0] : memref<256x256xf32, #tpu.memory_space<vmem>>, vector<256x256xf32>
    %get3A_2 = tpu.memref_reshape %arg1 : memref<6400x128xf32, #tpu.memory_space<vmem>> -> memref<256x25x128xf32, #tpu.memory_space<vmem>>
    %get3A_3 = arith.constant 0 : index
    %get3A_4 = arith.constant 0 : index
    %get3A_5 = arith.constant 0 : index
    %get3A_6 = vector.load %get3A_2[%get3A_3, %get3A_4, %get3A_5] : memref<256x25x128xf32, #tpu.memory_space<vmem>>, vector<256x1x128xf32>
    %get3A_7 = vector.shape_cast %get3A_6 : vector<256x1x128xf32> to vector<256x128xf32>
    %dot_general3A = arith.constant dense<0.000000e+00> : vector<128x256xf32>
    %dot_general3A_8 = tpu.matmul %get3A_7, %get3A_1, %dot_general3A {dimension_numbers = #tpu.dot_dimension_numbers<[0], [0], [1], [1], [0, 1, 1, 1], [], []>, transpose_lhs_hint = false} : vector<256x128xf32>, vector<256x256xf32>, vector<128x256xf32> -> vector<128x256xf32>
    %slice3A = vector.extract_strided_slice %dot_general3A_8 {offsets = [0, 0], sizes = [64, 256], strides = [1, 1]} : vector<128x256xf32> to vector<64x256xf32>
    %swap3A = arith.constant 0 : index
    %swap3A_9 = arith.constant 0 : index
    %swap3A_10 = arith.constant 0 : index
    %swap3A_11 = vector.load %arg3[%swap3A, %swap3A_9, %swap3A_10] : memref<50x64x256xf32, #tpu.memory_space<vmem>>, vector<1x64x256xf32>
    %swap3A_12 = vector.shape_cast %swap3A_11 : vector<1x64x256xf32> to vector<64x256xf32>
    %swap3A_13 = vector.shape_cast %slice3A : vector<64x256xf32> to vector<1x64x256xf32>
    tpu.vector_store %arg3[%swap3A, %swap3A_9, %swap3A_10], %swap3A_13 {strides = array<i32>} : memref<50x64x256xf32, #tpu.memory_space<vmem>>, vector<1x64x256xf32>,
    %slice3A_14 = vector.extract_strided_slice %dot_general3A_8 {offsets = [64, 0], sizes = [64, 256], strides = [1, 1]} : vector<128x256xf32> to vector<64x256xf32>
    %swap3A_15 = arith.constant 1 : index
    %swap3A_16 = arith.constant 0 : index
    %swap3A_17 = arith.constant 0 : index
    %swap3A_18 = vector.load %arg3[%swap3A_15, %swap3A_16, %swap3A_17] : memref<50x64x256xf32, #tpu.memory_space<vmem>>, vector<1x64x256xf32>
    %swap3A_19 = vector.shape_cast %swap3A_18 : vector<1x64x256xf32> to vector<64x256xf32>
    %swap3A_20 = vector.shape_cast %slice3A_14 : vector<64x256xf32> to vector<1x64x256xf32>
    tpu.vector_store %arg3[%swap3A_15, %swap3A_16, %swap3A_17], %swap3A_20 {strides = array<i32>} : memref<50x64x256xf32, #tpu.memory_space<vmem>>, vector<1x64x256xf32>,
    %get3A_21 = tpu.memref_reshape %arg1 : memref<6400x128xf32, #tpu.memory_space<vmem>> -> memref<256x25x128xf32, #tpu.memory_space<vmem>>
    %get3A_22 = arith.constant 0 : index
    %get3A_23 = arith.constant 1 : index
    %get3A_24 = arith.constant 0 : index
    %get3A_25 = vector.load %get3A_21[%get3A_22, %get3A_23, %get3A_24] : memref<256x25x128xf32, #tpu.memory_space<vmem>>, vector<256x1x128xf32>
    %get3A_26 = vector.shape_cast %get3A_25 : vector<256x1x128xf32> to vector<256x128xf32>
    %dot_general3A_27 = arith.constant dense<0.000000e+00> : vector<128x256xf32>
    %dot_general3A_28 = tpu.matmul %get3A_26, %get3A_1, %dot_general3A_27 {dimension_numbers = #tpu.dot_dimension_numbers<[0], [0], [1], [1], [0, 1, 1, 1], [], []>, transpose_lhs_hint = false} : vector<256x128xf32>, vector<256x256xf32>, vector<128x256xf32> -> vector<128x256xf32>
    %slice3A_29 = vector.extract_strided_slice %dot_general3A_28 {offsets = [0, 0], sizes = [64, 256], strides = [1, 1]} : vector<128x256xf32> to vector<64x256xf32>
    %swap3A_30 = arith.constant 2 : index
    %swap3A_31 = arith.constant 0 : index
    %swap3A_32 = arith.constant 0 : index
    %swap3A_33 = vector.load %arg3[%swap3A_30, %swap3A_31, %swap3A_32] : memref<50x64x256xf32, #tpu.memory_space<vmem>>, vector<1x64x256xf32>
    %swap3A_34 = vector.shape_cast %swap3A_33 : vector<1x64x256xf32> to vector<64x256xf32>
    %swap3A_35 = vector.shape_cast %slice3A_29 : vector<64x256xf32> to vector<1x64x256xf32>
    tpu.vector_store %arg3[%swap3A_30, %swap3A_31, %swap3A_32], %swap3A_35 {strides = array<i32>} : memref<50x64x256xf32, #tpu.memory_space<vmem>>, vector<1x64x256xf32>,
    %slice3A_36 = vector.extract_strided_slice %dot_general3A_28 {offsets = [64, 0], sizes = [64, 256], strides = [1, 1]} : vector<128x256xf32> to vector<64x256xf32>
    %swap3A_37 = arith.constant 3 : index
    %swap3A_38 = arith.constant 0 : index
    %swap3A_39 = arith.constant 0 : index
    %swap3A_40 = vector.load %arg3[%swap3A_37, %swap3A_38, %swap3A_39] : memref<50x64x256xf32, #tpu.memory_space<vmem>>, vector<1x64x256xf32>
    %swap3A_41 = vector.shape_cast %swap3A_40 : vector<1x64x256xf32> to vector<64x256xf32>
    %swap3A_42 = vector.shape_cast %slice3A_36 : vector<64x256xf32> to vector<1x64x256xf32>
    tpu.vector_store %arg3[%swap3A_37, %swap3A_38, %swap3A_39], %swap3A_42 {strides = array<i32>} : memref<50x64x256xf32, #tpu.memory_space<vmem>>, vector<1x64x256xf32>,
    %get3A_43 = tpu.memref_reshape %arg1 : memref<6400x128xf32, #tpu.memory_space<vmem>> -> memref<256x25x128xf32, #tpu.memory_space<vmem>>
    %get3A_44 = arith.constant 0 : index
    %get3A_45 = arith.constant 2 : index
    %get3A_46 = arith.constant 0 : index
    %get3A_47 = vector.load %get3A_43[%get3A_44, %get3A_45, %get3A_46] : memref<256x25x128xf32, #tpu.memory_space<vmem>>, vector<256x1x128xf32>
    %get3A_48 = vector.shape_cast %get3A_47 : vector<256x1x128xf32> to vector<256x128xf32>
    %dot_general3A_49 = arith.constant dense<0.000000e+00> : vector<128x256xf32>
    %dot_general3A_50 = tpu.matmul %get3A_48, %get3A_1, %dot_general3A_49 {dimension_numbers = #tpu.dot_dimension_numbers<[0], [0], [1], [1], [0, 1, 1, 1], [], []>, transpose_lhs_hint = false} : vector<256x128xf32>, vector<256x256xf32>, vector<128x256xf32> -> vector<128x256xf32>
    %slice3A_51 = vector.extract_strided_slice %dot_general3A_50 {offsets = [0, 0], sizes = [64, 256], strides = [1, 1]} : vector<128x256xf32> to vector<64x256xf32>
    %swap3A_52 = arith.constant 4 : index
    %swap3A_53 = arith.constant 0 : index
    %swap3A_54 = arith.constant 0 : index
    %swap3A_55 = vector.load %arg3[%swap3A_52, %swap3A_53, %swap3A_54] : memref<50x64x256xf32, #tpu.memory_space<vmem>>, vector<1x64x256xf32>
    %swap3A_56 = vector.shape_cast %swap3A_55 : vector<1x64x256xf32> to vector<64x256xf32>
    %swap3A_57 = vector.shape_cast %slice3A_51 : vector<64x256xf32> to vector<1x64x256xf32>
    tpu.vector_store %arg3[%swap3A_52, %swap3A_53, %swap3A_54], %swap3A_57 {strides = array<i32>} : memref<50x64x256xf32, #tpu.memory_space<vmem>>, vector<1x64x256xf32>,
    %slice3A_58 = vector.extract_strided_slice %dot_general3A_50 {offsets = [64, 0], sizes = [64, 256], strides = [1, 1]} : vector<128x256xf32> to vector<64x256xf32>
    %swap3A_59 = arith.constant 5 : index
    %swap3A_60 = arith.constant 0 : index
    %swap3A_61 = arith.constant 0 : index
    %swap3A_62 = vector.load %arg3[%swap3A_59, %swap3A_60, %swap3A_61] : memref<50x64x256xf32, #tpu.memory_space<vmem>>, vector<1x64x256xf32>
    %swap3A_63 = vector.shape_cast %swap3A_62 : vector<1x64x256xf32> to vector<64x256xf32>
    %swap3A_64 = vector.shape_cast %slice3A_58 : vector<64x256xf32> to vector<1x64x256xf32>
    tpu.vector_store %arg3[%swap3A_59, %swap3A_60, %swap3A_61], %swap3A_64 {strides = array<i32>} : memref<50x64x256xf32, #tpu.memory_space<vmem>>, vector<1x64x256xf32>,
    %get3A_65 = tpu.memref_reshape %arg1 : memref<6400x128xf32, #tpu.memory_space<vmem>> -> memref<256x25x128xf32, #tpu.memory_space<vmem>>
    %get3A_66 = arith.constant 0 : index
    %get3A_67 = arith.constant 3 : index
    %get3A_68 = arith.constant 0 : index
    %get3A_69 = vector.load %get3A_65[%get3A_66, %get3A_67, %get3A_68] : memref<256x25x128xf32, #tpu.memory_space<vmem>>, vector<256x1x128xf32>
    %get3A_70 = vector.shape_cast %get3A_69 : vector<256x1x128xf32> to vector<256x128xf32>
    %dot_general3A_71 = arith.constant dense<0.000000e+00> : vector<128x256xf32>
    %dot_general3A_72 = tpu.matmul %get3A_70, %get3A_1, %dot_general3A_71 {dimension_numbers = #tpu.dot_dimension_numbers<[0], [0], [1], [1], [0, 1, 1, 1], [], []>, transpose_lhs_hint = false} : vector<256x128xf32>, vector<256x256xf32>, vector<128x256xf32> -> vector<128x256xf32>
    %slice3A_73 = vector.extract_strided_slice %dot_general3A_72 {offsets = [0, 0], sizes = [64, 256], strides = [1, 1]} : vector<128x256xf32> to vector<64x256xf32>
    %swap3A_74 = arith.constant 6 : index
    %swap3A_75 = arith.constant 0 : index
    %swap3A_76 = arith.constant 0 : index
    %swap3A_77 = vector.load %arg3[%swap3A_74, %swap3A_75, %swap3A_76] : memref<50x64x256xf32, #tpu.memory_space<vmem>>, vector<1x64x256xf32>
    %swap3A_78 = vector.shape_cast %swap3A_77 : vector<1x64x256xf32> to vector<64x256xf32>
    %swap3A_79 = vector.shape_cast %slice3A_73 : vector<64x256xf32> to vector<1x64x256xf32>
    tpu.vector_store %arg3[%swap3A_74, %swap3A_75, %swap3A_76], %swap3A_79 {strides = array<i32>} : memref<50x64x256xf32, #tpu.memory_space<vmem>>, vector<1x64x256xf32>,
    %slice3A_80 = vector.extract_strided_slice %dot_general3A_72 {offsets = [64, 0], sizes = [64, 256], strides = [1, 1]} : vector<128x256xf32> to vector<64x256xf32>
    %swap3A_81 = arith.constant 7 : index
    %swap3A_82 = arith.constant 0 : index
    %swap3A_83 = arith.constant 0 : index
    %swap3A_84 = vector.load %arg3[%swap3A_81, %swap3A_82, %swap3A_83] : memref<50x64x256xf32, #tpu.memory_space<vmem>>, vector<1x64x256xf32>
    %swap3A_85 = vector.shape_cast %swap3A_84 : vector<1x64x256xf32> to vector<64x256xf32>
    %swap3A_86 = vector.shape_cast %slice3A_80 : vector<64x256xf32> to vector<1x64x256xf32>
    tpu.vector_store %arg3[%swap3A_81, %swap3A_82, %swap3A_83], %swap3A_86 {strides = array<i32>} : memref<50x64x256xf32, #tpu.memory_space<vmem>>, vector<1x64x256xf32>,
    %get3A_87 = tpu.memref_reshape %arg1 : memref<6400x128xf32, #tpu.memory_space<vmem>> -> memref<256x25x128xf32, #tpu.memory_space<vmem>>
    %get3A_88 = arith.constant 0 : index
    %get3A_89 = arith.constant 4 : index
    %get3A_90 = arith.constant 0 : index
    %get3A_91 = vector.load %get3A_87[%get3A_88, %get3A_89, %get3A_90] : memref<256x25x128xf32, #tpu.memory_space<vmem>>, vector<256x1x128xf32>
    %get3A_92 = vector.shape_cast %get3A_91 : vector<256x1x128xf32> to vector<256x128xf32>
    %dot_general3A_93 = arith.constant dense<0.000000e+00> : vector<128x256xf32>
    %dot_general3A_94 = tpu.matmul %get3A_92, %get3A_1, %dot_general3A_93 {dimension_numbers = #tpu.dot_dimension_numbers<[0], [0], [1], [1], [0, 1, 1, 1], [], []>, transpose_lhs_hint = false} : vector<256x128xf32>, vector<256x256xf32>, vector<128x256xf32> -> vector<128x256xf32>
    %slice3A_95 = vector.extract_strided_slice %dot_general3A_94 {offsets = [0, 0], sizes = [64, 256], strides = [1, 1]} : vector<128x256xf32> to vector<64x256xf32>
    %swap3A_96 = arith.constant 8 : index
    %swap3A_97 = arith.constant 0 : index
    %swap3A_98 = arith.constant 0 : index
    %swap3A_99 = vector.load %arg3[%swap3A_96, %swap3A_97, %swap3A_98] : memref<50x64x256xf32, #tpu.memory_space<vmem>>, vector<1x64x256xf32>
    %swap3A_100 = vector.shape_cast %swap3A_99 : vector<1x64x256xf32> to vector<64x256xf32>
    %swap3A_101 = vector.shape_cast %slice3A_95 : vector<64x256xf32> to vector<1x64x256xf32>
    tpu.vector_store %arg3[%swap3A_96, %swap3A_97, %swap3A_98], %swap3A_101 {strides = array<i32>} : memref<50x64x256xf32, #tpu.memory_space<vmem>>, vector<1x64x256xf32>,
    %slice3A_102 = vector.extract_strided_slice %dot_general3A_94 {offsets = [64, 0], sizes = [64, 256], strides = [1, 1]} : vector<128x256xf32> to vector<64x256xf32>
    %swap3A_103 = arith.constant 9 : index
    %swap3A_104 = arith.constant 0 : index
    %swap3A_105 = arith.constant 0 : index
    %swap3A_106 = vector.load %arg3[%swap3A_103, %swap3A_104, %swap3A_105] : memref<50x64x256xf32, #tpu.memory_space<vmem>>, vector<1x64x256xf32>
    %swap3A_107 = vector.shape_cast %swap3A_106 : vector<1x64x256xf32> to vector<64x256xf32>
    %swap3A_108 = vector.shape_cast %slice3A_102 : vector<64x256xf32> to vector<1x64x256xf32>
    tpu.vector_store %arg3[%swap3A_103, %swap3A_104, %swap3A_105], %swap3A_108 {strides = array<i32>} : memref<50x64x256xf32, #tpu.memory_space<vmem>>, vector<1x64x256xf32>,
    %get3A_109 = tpu.memref_reshape %arg1 : memref<6400x128xf32, #tpu.memory_space<vmem>> -> memref<256x25x128xf32, #tpu.memory_space<vmem>>
    %get3A_110 = arith.constant 0 : index
    %get3A_111 = arith.constant 5 : index
    %get3A_112 = arith.constant 0 : index
    %get3A_113 = vector.load %get3A_109[%get3A_110, %get3A_111, %get3A_112] : memref<256x25x128xf32, #tpu.memory_space<vmem>>, vector<256x1x128xf32>
    %get3A_114 = vector.shape_cast %get3A_113 : vector<256x1x128xf32> to vector<256x128xf32>
    %dot_general3A_115 = arith.constant dense<0.000000e+00> : vector<128x256xf32>
    %dot_general3A_116 = tpu.matmul %get3A_114, %get3A_1, %dot_general3A_115 {dimension_numbers = #tpu.dot_dimension_numbers<[0], [0], [1], [1], [0, 1, 1, 1], [], []>, transpose_lhs_hint = false} : vector<256x128xf32>, vector<256x256xf32>, vector<128x256xf32> -> vector<128x256xf32>
    %slice3A_117 = vector.extract_strided_slice %dot_general3A_116 {offsets = [0, 0], sizes = [64, 256], strides = [1, 1]} : vector<128x256xf32> to vector<64x256xf32>
    %swap3A_118 = arith.constant 10 : index
    %swap3A_119 = arith.constant 0 : index
    %swap3A_120 = arith.constant 0 : index
    %swap3A_121 = vector.load %arg3[%swap3A_118, %swap3A_119, %swap3A_120] : memref<50x64x256xf32, #tpu.memory_space<vmem>>, vector<1x64x256xf32>
    %swap3A_122 = vector.shape_cast %swap3A_121 : vector<1x64x256xf32> to vector<64x256xf32>
    %swap3A_123 = vector.shape_cast %slice3A_117 : vector<64x256xf32> to vector<1x64x256xf32>
    tpu.vector_store %arg3[%swap3A_118, %swap3A_119, %swap3A_120], %swap3A_123 {strides = array<i32>} : memref<50x64x256xf32, #tpu.memory_space<vmem>>, vector<1x64x256xf32>,
    %slice3A_124 = vector.extract_strided_slice %dot_general3A_116 {offsets = [64, 0], sizes = [64, 256], strides = [1, 1]} : vector<128x256xf32> to vector<64x256xf32>
    %swap3A_125 = arith.constant 11 : index
    %swap3A_126 = arith.constant 0 : index
    %swap3A_127 = arith.constant 0 : index
    %swap3A_128 = vector.load %arg3[%swap3A_125, %swap3A_126, %swap3A_127] : memref<50x64x256xf32, #tpu.memory_space<vmem>>, vector<1x64x256xf32>
    %swap3A_129 = vector.shape_cast %swap3A_128 : vector<1x64x256xf32> to vector<64x256xf32>
    %swap3A_130 = vector.shape_cast %slice3A_124 : vector<64x256xf32> to vector<1x64x256xf32>
    tpu.vector_store %arg3[%swap3A_125, %swap3A_126, %swap3A_127], %swap3A_130 {strides = array<i32>} : memref<50x64x256xf32, #tpu.memory_space<vmem>>, vector<1x64x256xf32>,
    %get3A_131 = tpu.memref_reshape %arg1 : memref<6400x128xf32, #tpu.memory_space<vmem>> -> memref<256x25x128xf32, #tpu.memory_space<vmem>>
    %get3A_132 = arith.constant 0 : index
    %get3A_133 = arith.constant 6 : index
    %get3A_134 = arith.constant 0 : index
    %get3A_135 = vector.load %get3A_131[%get3A_132, %get3A_133, %get3A_134] : memref<256x25x128xf32, #tpu.memory_space<vmem>>, vector<256x1x128xf32>
    %get3A_136 = vector.shape_cast %get3A_135 : vector<256x1x128xf32> to vector<256x128xf32>
    %dot_general3A_137 = arith.constant dense<0.000000e+00> : vector<128x256xf32>
    %dot_general3A_138 = tpu.matmul %get3A_136, %get3A_1, %dot_general3A_137 {dimension_numbers = #tpu.dot_dimension_numbers<[0], [0], [1], [1], [0, 1, 1, 1], [], []>, transpose_lhs_hint = false} : vector<256x128xf32>, vector<256x256xf32>, vector<128x256xf32> -> vector<128x256xf32>
    %slice3A_139 = vector.extract_strided_slice %dot_general3A_138 {offsets = [0, 0], sizes = [64, 256], strides = [1, 1]} : vector<128x256xf32> to vector<64x256xf32>
    %swap3A_140 = arith.constant 12 : index
    %swap3A_141 = arith.constant 0 : index
    %swap3A_142 = arith.constant 0 : index
    %swap3A_143 = vector.load %arg3[%swap3A_140, %swap3A_141, %swap3A_142] : memref<50x64x256xf32, #tpu.memory_space<vmem>>, vector<1x64x256xf32>
    %swap3A_144 = vector.shape_cast %swap3A_143 : vector<1x64x256xf32> to vector<64x256xf32>
    %swap3A_145 = vector.shape_cast %slice3A_139 : vector<64x256xf32> to vector<1x64x256xf32>
    tpu.vector_store %arg3[%swap3A_140, %swap3A_141, %swap3A_142], %swap3A_145 {strides = array<i32>} : memref<50x64x256xf32, #tpu.memory_space<vmem>>, vector<1x64x256xf32>,
    %slice3A_146 = vector.extract_strided_slice %dot_general3A_138 {offsets = [64, 0], sizes = [64, 256], strides = [1, 1]} : vector<128x256xf32> to vector<64x256xf32>
    %swap3A_147 = arith.constant 13 : index
    %swap3A_148 = arith.constant 0 : index
    %swap3A_149 = arith.constant 0 : index
    %swap3A_150 = vector.load %arg3[%swap3A_147, %swap3A_148, %swap3A_149] : memref<50x64x256xf32, #tpu.memory_space<vmem>>, vector<1x64x256xf32>
    %swap3A_151 = vector.shape_cast %swap3A_150 : vector<1x64x256xf32> to vector<64x256xf32>
    %swap3A_152 = vector.shape_cast %slice3A_146 : vector<64x256xf32> to vector<1x64x256xf32>
    tpu.vector_store %arg3[%swap3A_147, %swap3A_148, %swap3A_149], %swap3A_152 {strides = array<i32>} : memref<50x64x256xf32, #tpu.memory_space<vmem>>, vector<1x64x256xf32>,
    %get3A_153 = tpu.memref_reshape %arg1 : memref<6400x128xf32, #tpu.memory_space<vmem>> -> memref<256x25x128xf32, #tpu.memory_space<vmem>>
    %get3A_154 = arith.constant 0 : index
    %get3A_155 = arith.constant 7 : index
    %get3A_156 = arith.constant 0 : index
    %get3A_157 = vector.load %get3A_153[%get3A_154, %get3A_155, %get3A_156] : memref<256x25x128xf32, #tpu.memory_space<vmem>>, vector<256x1x128xf32>
    %get3A_158 = vector.shape_cast %get3A_157 : vector<256x1x128xf32> to vector<256x128xf32>
    %dot_general3A_159 = arith.constant dense<0.000000e+00> : vector<128x256xf32>
    %dot_general3A_160 = tpu.matmul %get3A_158, %get3A_1, %dot_general3A_159 {dimension_numbers = #tpu.dot_dimension_numbers<[0], [0], [1], [1], [0, 1, 1, 1], [], []>, transpose_lhs_hint = false} : vector<256x128xf32>, vector<256x256xf32>, vector<128x256xf32> -> vector<128x256xf32>
    %slice3A_161 = vector.extract_strided_slice %dot_general3A_160 {offsets = [0, 0], sizes = [64, 256], strides = [1, 1]} : vector<128x256xf32> to vector<64x256xf32>
    %swap3A_162 = arith.constant 14 : index
    %swap3A_163 = arith.constant 0 : index
    %swap3A_164 = arith.constant 0 : index
    %swap3A_165 = vector.load %arg3[%swap3A_162, %swap3A_163, %swap3A_164] : memref<50x64x256xf32, #tpu.memory_space<vmem>>, vector<1x64x256xf32>
    %swap3A_166 = vector.shape_cast %swap3A_165 : vector<1x64x256xf32> to vector<64x256xf32>
    %swap3A_167 = vector.shape_cast %slice3A_161 : vector<64x256xf32> to vector<1x64x256xf32>
    tpu.vector_store %arg3[%swap3A_162, %swap3A_163, %swap3A_164], %swap3A_167 {strides = array<i32>} : memref<50x64x256xf32, #tpu.memory_space<vmem>>, vector<1x64x256xf32>,
    %slice3A_168 = vector.extract_strided_slice %dot_general3A_160 {offsets = [64, 0], sizes = [64, 256], strides = [1, 1]} : vector<128x256xf32> to vector<64x256xf32>
    %swap3A_169 = arith.constant 15 : index
    %swap3A_170 = arith.constant 0 : index
    %swap3A_171 = arith.constant 0 : index
    %swap3A_172 = vector.load %arg3[%swap3A_169, %swap3A_170, %swap3A_171] : memref<50x64x256xf32, #tpu.memory_space<vmem>>, vector<1x64x256xf32>
    %swap3A_173 = vector.shape_cast %swap3A_172 : vector<1x64x256xf32> to vector<64x256xf32>
    %swap3A_174 = vector.shape_cast %slice3A_168 : vector<64x256xf32> to vector<1x64x256xf32>
    tpu.vector_store %arg3[%swap3A_169, %swap3A_170, %swap3A_171], %swap3A_174 {strides = array<i32>} : memref<50x64x256xf32, #tpu.memory_space<vmem>>, vector<1x64x256xf32>,
    %get3A_175 = tpu.memref_reshape %arg1 : memref<6400x128xf32, #tpu.memory_space<vmem>> -> memref<256x25x128xf32, #tpu.memory_space<vmem>>
    %get3A_176 = arith.constant 0 : index
    %get3A_177 = arith.constant 8 : index
    %get3A_178 = arith.constant 0 : index
    %get3A_179 = vector.load %get3A_175[%get3A_176, %get3A_177, %get3A_178] : memref<256x25x128xf32, #tpu.memory_space<vmem>>, vector<256x1x128xf32>
    %get3A_180 = vector.shape_cast %get3A_179 : vector<256x1x128xf32> to vector<256x128xf32>
    %dot_general3A_181 = arith.constant dense<0.000000e+00> : vector<128x256xf32>
    %dot_general3A_182 = tpu.matmul %get3A_180, %get3A_1, %dot_general3A_181 {dimension_numbers = #tpu.dot_dimension_numbers<[0], [0], [1], [1], [0, 1, 1, 1], [], []>, transpose_lhs_hint = false} : vector<256x128xf32>, vector<256x256xf32>, vector<128x256xf32> -> vector<128x256xf32>
    %slice3A_183 = vector.extract_strided_slice %dot_general3A_182 {offsets = [0, 0], sizes = [64, 256], strides = [1, 1]} : vector<128x256xf32> to vector<64x256xf32>
    %swap3A_184 = arith.constant 16 : index
    %swap3A_185 = arith.constant 0 : index
    %swap3A_186 = arith.constant 0 : index
    %swap3A_187 = vector.load %arg3[%swap3A_184, %swap3A_185, %swap3A_186] : memref<50x64x256xf32, #tpu.memory_space<vmem>>, vector<1x64x256xf32>
    %swap3A_188 = vector.shape_cast %swap3A_187 : vector<1x64x256xf32> to vector<64x256xf32>
    %swap3A_189 = vector.shape_cast %slice3A_183 : vector<64x256xf32> to vector<1x64x256xf32>
    tpu.vector_store %arg3[%swap3A_184, %swap3A_185, %swap3A_186], %swap3A_189 {strides = array<i32>} : memref<50x64x256xf32, #tpu.memory_space<vmem>>, vector<1x64x256xf32>,
    %slice3A_190 = vector.extract_strided_slice %dot_general3A_182 {offsets = [64, 0], sizes = [64, 256], strides = [1, 1]} : vector<128x256xf32> to vector<64x256xf32>
    %swap3A_191 = arith.constant 17 : index
    %swap3A_192 = arith.constant 0 : index
    %swap3A_193 = arith.constant 0 : index
    %swap3A_194 = vector.load %arg3[%swap3A_191, %swap3A_192, %swap3A_193] : memref<50x64x256xf32, #tpu.memory_space<vmem>>, vector<1x64x256xf32>
    %swap3A_195 = vector.shape_cast %swap3A_194 : vector<1x64x256xf32> to vector<64x256xf32>
    %swap3A_196 = vector.shape_cast %slice3A_190 : vector<64x256xf32> to vector<1x64x256xf32>
    tpu.vector_store %arg3[%swap3A_191, %swap3A_192, %swap3A_193], %swap3A_196 {strides = array<i32>} : memref<50x64x256xf32, #tpu.memory_space<vmem>>, vector<1x64x256xf32>,
    %get3A_197 = tpu.memref_reshape %arg1 : memref<6400x128xf32, #tpu.memory_space<vmem>> -> memref<256x25x128xf32, #tpu.memory_space<vmem>>
    %get3A_198 = arith.constant 0 : index
    %get3A_199 = arith.constant 9 : index
    %get3A_200 = arith.constant 0 : index
    %get3A_201 = vector.load %get3A_197[%get3A_198, %get3A_199, %get3A_200] : memref<256x25x128xf32, #tpu.memory_space<vmem>>, vector<256x1x128xf32>
    %get3A_202 = vector.shape_cast %get3A_201 : vector<256x1x128xf32> to vector<256x128xf32>
    %dot_general3A_203 = arith.constant dense<0.000000e+00> : vector<128x256xf32>
    %dot_general3A_204 = tpu.matmul %get3A_202, %get3A_1, %dot_general3A_203 {dimension_numbers = #tpu.dot_dimension_numbers<[0], [0], [1], [1], [0, 1, 1, 1], [], []>, transpose_lhs_hint = false} : vector<256x128xf32>, vector<256x256xf32>, vector<128x256xf32> -> vector<128x256xf32>
    %slice3A_205 = vector.extract_strided_slice %dot_general3A_204 {offsets = [0, 0], sizes = [64, 256], strides = [1, 1]} : vector<128x256xf32> to vector<64x256xf32>
    %swap3A_206 = arith.constant 18 : index
    %swap3A_207 = arith.constant 0 : index
    %swap3A_208 = arith.constant 0 : index
    %swap3A_209 = vector.load %arg3[%swap3A_206, %swap3A_207, %swap3A_208] : memref<50x64x256xf32, #tpu.memory_space<vmem>>, vector<1x64x256xf32>
    %swap3A_210 = vector.shape_cast %swap3A_209 : vector<1x64x256xf32> to vector<64x256xf32>
    %swap3A_211 = vector.shape_cast %slice3A_205 : vector<64x256xf32> to vector<1x64x256xf32>
    tpu.vector_store %arg3[%swap3A_206, %swap3A_207, %swap3A_208], %swap3A_211 {strides = array<i32>} : memref<50x64x256xf32, #tpu.memory_space<vmem>>, vector<1x64x256xf32>,
    %slice3A_212 = vector.extract_strided_slice %dot_general3A_204 {offsets = [64, 0], sizes = [64, 256], strides = [1, 1]} : vector<128x256xf32> to vector<64x256xf32>
    %swap3A_213 = arith.constant 19 : index
    %swap3A_214 = arith.constant 0 : index
    %swap3A_215 = arith.constant 0 : index
    %swap3A_216 = vector.load %arg3[%swap3A_213, %swap3A_214, %swap3A_215] : memref<50x64x256xf32, #tpu.memory_space<vmem>>, vector<1x64x256xf32>
    %swap3A_217 = vector.shape_cast %swap3A_216 : vector<1x64x256xf32> to vector<64x256xf32>
    %swap3A_218 = vector.shape_cast %slice3A_212 : vector<64x256xf32> to vector<1x64x256xf32>
    tpu.vector_store %arg3[%swap3A_213, %swap3A_214, %swap3A_215], %swap3A_218 {strides = array<i32>} : memref<50x64x256xf32, #tpu.memory_space<vmem>>, vector<1x64x256xf32>,
    %get3A_219 = tpu.memref_reshape %arg1 : memref<6400x128xf32, #tpu.memory_space<vmem>> -> memref<256x25x128xf32, #tpu.memory_space<vmem>>
    %get3A_220 = arith.constant 0 : index
    %get3A_221 = arith.constant 10 : index
    %get3A_222 = arith.constant 0 : index
    %get3A_223 = vector.load %get3A_219[%get3A_220, %get3A_221, %get3A_222] : memref<256x25x128xf32, #tpu.memory_space<vmem>>, vector<256x1x128xf32>
    %get3A_224 = vector.shape_cast %get3A_223 : vector<256x1x128xf32> to vector<256x128xf32>
    %dot_general3A_225 = arith.constant dense<0.000000e+00> : vector<128x256xf32>
    %dot_general3A_226 = tpu.matmul %get3A_224, %get3A_1, %dot_general3A_225 {dimension_numbers = #tpu.dot_dimension_numbers<[0], [0], [1], [1], [0, 1, 1, 1], [], []>, transpose_lhs_hint = false} : vector<256x128xf32>, vector<256x256xf32>, vector<128x256xf32> -> vector<128x256xf32>
    %slice3A_227 = vector.extract_strided_slice %dot_general3A_226 {offsets = [0, 0], sizes = [64, 256], strides = [1, 1]} : vector<128x256xf32> to vector<64x256xf32>
    %swap3A_228 = arith.constant 20 : index
    %swap3A_229 = arith.constant 0 : index
    %swap3A_230 = arith.constant 0 : index
    %swap3A_231 = vector.load %arg3[%swap3A_228, %swap3A_229, %swap3A_230] : memref<50x64x256xf32, #tpu.memory_space<vmem>>, vector<1x64x256xf32>
    %swap3A_232 = vector.shape_cast %swap3A_231 : vector<1x64x256xf32> to vector<64x256xf32>
    %swap3A_233 = vector.shape_cast %slice3A_227 : vector<64x256xf32> to vector<1x64x256xf32>
    tpu.vector_store %arg3[%swap3A_228, %swap3A_229, %swap3A_230], %swap3A_233 {strides = array<i32>} : memref<50x64x256xf32, #tpu.memory_space<vmem>>, vector<1x64x256xf32>,
    %slice3A_234 = vector.extract_strided_slice %dot_general3A_226 {offsets = [64, 0], sizes = [64, 256], strides = [1, 1]} : vector<128x256xf32> to vector<64x256xf32>
    %swap3A_235 = arith.constant 21 : index
    %swap3A_236 = arith.constant 0 : index
    %swap3A_237 = arith.constant 0 : index
    %swap3A_238 = vector.load %arg3[%swap3A_235, %swap3A_236, %swap3A_237] : memref<50x64x256xf32, #tpu.memory_space<vmem>>, vector<1x64x256xf32>
    %swap3A_239 = vector.shape_cast %swap3A_238 : vector<1x64x256xf32> to vector<64x256xf32>
    %swap3A_240 = vector.shape_cast %slice3A_234 : vector<64x256xf32> to vector<1x64x256xf32>
    tpu.vector_store %arg3[%swap3A_235, %swap3A_236, %swap3A_237], %swap3A_240 {strides = array<i32>} : memref<50x64x256xf32, #tpu.memory_space<vmem>>, vector<1x64x256xf32>,
    %get3A_241 = tpu.memref_reshape %arg1 : memref<6400x128xf32, #tpu.memory_space<vmem>> -> memref<256x25x128xf32, #tpu.memory_space<vmem>>
    %get3A_242 = arith.constant 0 : index
    %get3A_243 = arith.constant 11 : index
    %get3A_244 = arith.constant 0 : index
    %get3A_245 = vector.load %get3A_241[%get3A_242, %get3A_243, %get3A_244] : memref<256x25x128xf32, #tpu.memory_space<vmem>>, vector<256x1x128xf32>
    %get3A_246 = vector.shape_cast %get3A_245 : vector<256x1x128xf32> to vector<256x128xf32>
    %dot_general3A_247 = arith.constant dense<0.000000e+00> : vector<128x256xf32>
    %dot_general3A_248 = tpu.matmul %get3A_246, %get3A_1, %dot_general3A_247 {dimension_numbers = #tpu.dot_dimension_numbers<[0], [0], [1], [1], [0, 1, 1, 1], [], []>, transpose_lhs_hint = false} : vector<256x128xf32>, vector<256x256xf32>, vector<128x256xf32> -> vector<128x256xf32>
    %slice3A_249 = vector.extract_strided_slice %dot_general3A_248 {offsets = [0, 0], sizes = [64, 256], strides = [1, 1]} : vector<128x256xf32> to vector<64x256xf32>
    %swap3A_250 = arith.constant 22 : index
    %swap3A_251 = arith.constant 0 : index
    %swap3A_252 = arith.constant 0 : index
    %swap3A_253 = vector.load %arg3[%swap3A_250, %swap3A_251, %swap3A_252] : memref<50x64x256xf32, #tpu.memory_space<vmem>>, vector<1x64x256xf32>
    %swap3A_254 = vector.shape_cast %swap3A_253 : vector<1x64x256xf32> to vector<64x256xf32>
    %swap3A_255 = vector.shape_cast %slice3A_249 : vector<64x256xf32> to vector<1x64x256xf32>
    tpu.vector_store %arg3[%swap3A_250, %swap3A_251, %swap3A_252], %swap3A_255 {strides = array<i32>} : memref<50x64x256xf32, #tpu.memory_space<vmem>>, vector<1x64x256xf32>,
    %slice3A_256 = vector.extract_strided_slice %dot_general3A_248 {offsets = [64, 0], sizes = [64, 256], strides = [1, 1]} : vector<128x256xf32> to vector<64x256xf32>
    %swap3A_257 = arith.constant 23 : index
    %swap3A_258 = arith.constant 0 : index
    %swap3A_259 = arith.constant 0 : index
    %swap3A_260 = vector.load %arg3[%swap3A_257, %swap3A_258, %swap3A_259] : memref<50x64x256xf32, #tpu.memory_space<vmem>>, vector<1x64x256xf32>
    %swap3A_261 = vector.shape_cast %swap3A_260 : vector<1x64x256xf32> to vector<64x256xf32>
    %swap3A_262 = vector.shape_cast %slice3A_256 : vector<64x256xf32> to vector<1x64x256xf32>
    tpu.vector_store %arg3[%swap3A_257, %swap3A_258, %swap3A_259], %swap3A_262 {strides = array<i32>} : memref<50x64x256xf32, #tpu.memory_space<vmem>>, vector<1x64x256xf32>,
    %get3A_263 = tpu.memref_reshape %arg1 : memref<6400x128xf32, #tpu.memory_space<vmem>> -> memref<256x25x128xf32, #tpu.memory_space<vmem>>
    %get3A_264 = arith.constant 0 : index
    %get3A_265 = arith.constant 12 : index
    %get3A_266 = arith.constant 0 : index
    %get3A_267 = vector.load %get3A_263[%get3A_264, %get3A_265, %get3A_266] : memref<256x25x128xf32, #tpu.memory_space<vmem>>, vector<256x1x128xf32>
    %get3A_268 = vector.shape_cast %get3A_267 : vector<256x1x128xf32> to vector<256x128xf32>
    %dot_general3A_269 = arith.constant dense<0.000000e+00> : vector<128x256xf32>
    %dot_general3A_270 = tpu.matmul %get3A_268, %get3A_1, %dot_general3A_269 {dimension_numbers = #tpu.dot_dimension_numbers<[0], [0], [1], [1], [0, 1, 1, 1], [], []>, transpose_lhs_hint = false} : vector<256x128xf32>, vector<256x256xf32>, vector<128x256xf32> -> vector<128x256xf32>
    %slice3A_271 = vector.extract_strided_slice %dot_general3A_270 {offsets = [0, 0], sizes = [64, 256], strides = [1, 1]} : vector<128x256xf32> to vector<64x256xf32>
    %swap3A_272 = arith.constant 24 : index
    %swap3A_273 = arith.constant 0 : index
    %swap3A_274 = arith.constant 0 : index
    %swap3A_275 = vector.load %arg3[%swap3A_272, %swap3A_273, %swap3A_274] : memref<50x64x256xf32, #tpu.memory_space<vmem>>, vector<1x64x256xf32>
    %swap3A_276 = vector.shape_cast %swap3A_275 : vector<1x64x256xf32> to vector<64x256xf32>
    %swap3A_277 = vector.shape_cast %slice3A_271 : vector<64x256xf32> to vector<1x64x256xf32>
    tpu.vector_store %arg3[%swap3A_272, %swap3A_273, %swap3A_274], %swap3A_277 {strides = array<i32>} : memref<50x64x256xf32, #tpu.memory_space<vmem>>, vector<1x64x256xf32>,
    %slice3A_278 = vector.extract_strided_slice %dot_general3A_270 {offsets = [64, 0], sizes = [64, 256], strides = [1, 1]} : vector<128x256xf32> to vector<64x256xf32>
    %swap3A_279 = arith.constant 25 : index
    %swap3A_280 = arith.constant 0 : index
    %swap3A_281 = arith.constant 0 : index
    %swap3A_282 = vector.load %arg3[%swap3A_279, %swap3A_280, %swap3A_281] : memref<50x64x256xf32, #tpu.memory_space<vmem>>, vector<1x64x256xf32>
    %swap3A_283 = vector.shape_cast %swap3A_282 : vector<1x64x256xf32> to vector<64x256xf32>
    %swap3A_284 = vector.shape_cast %slice3A_278 : vector<64x256xf32> to vector<1x64x256xf32>
    tpu.vector_store %arg3[%swap3A_279, %swap3A_280, %swap3A_281], %swap3A_284 {strides = array<i32>} : memref<50x64x256xf32, #tpu.memory_space<vmem>>, vector<1x64x256xf32>,
    %get3A_285 = tpu.memref_reshape %arg1 : memref<6400x128xf32, #tpu.memory_space<vmem>> -> memref<256x25x128xf32, #tpu.memory_space<vmem>>
    %get3A_286 = arith.constant 0 : index
    %get3A_287 = arith.constant 13 : index
    %get3A_288 = arith.constant 0 : index
    %get3A_289 = vector.load %get3A_285[%get3A_286, %get3A_287, %get3A_288] : memref<256x25x128xf32, #tpu.memory_space<vmem>>, vector<256x1x128xf32>
    %get3A_290 = vector.shape_cast %get3A_289 : vector<256x1x128xf32> to vector<256x128xf32>
    %dot_general3A_291 = arith.constant dense<0.000000e+00> : vector<128x256xf32>
    %dot_general3A_292 = tpu.matmul %get3A_290, %get3A_1, %dot_general3A_291 {dimension_numbers = #tpu.dot_dimension_numbers<[0], [0], [1], [1], [0, 1, 1, 1], [], []>, transpose_lhs_hint = false} : vector<256x128xf32>, vector<256x256xf32>, vector<128x256xf32> -> vector<128x256xf32>
    %slice3A_293 = vector.extract_strided_slice %dot_general3A_292 {offsets = [0, 0], sizes = [64, 256], strides = [1, 1]} : vector<128x256xf32> to vector<64x256xf32>
    %swap3A_294 = arith.constant 26 : index
    %swap3A_295 = arith.constant 0 : index
    %swap3A_296 = arith.constant 0 : index
    %swap3A_297 = vector.load %arg3[%swap3A_294, %swap3A_295, %swap3A_296] : memref<50x64x256xf32, #tpu.memory_space<vmem>>, vector<1x64x256xf32>
    %swap3A_298 = vector.shape_cast %swap3A_297 : vector<1x64x256xf32> to vector<64x256xf32>
    %swap3A_299 = vector.shape_cast %slice3A_293 : vector<64x256xf32> to vector<1x64x256xf32>
    tpu.vector_store %arg3[%swap3A_294, %swap3A_295, %swap3A_296], %swap3A_299 {strides = array<i32>} : memref<50x64x256xf32, #tpu.memory_space<vmem>>, vector<1x64x256xf32>,
    %slice3A_300 = vector.extract_strided_slice %dot_general3A_292 {offsets = [64, 0], sizes = [64, 256], strides = [1, 1]} : vector<128x256xf32> to vector<64x256xf32>
    %swap3A_301 = arith.constant 27 : index
    %swap3A_302 = arith.constant 0 : index
    %swap3A_303 = arith.constant 0 : index
    %swap3A_304 = vector.load %arg3[%swap3A_301, %swap3A_302, %swap3A_303] : memref<50x64x256xf32, #tpu.memory_space<vmem>>, vector<1x64x256xf32>
    %swap3A_305 = vector.shape_cast %swap3A_304 : vector<1x64x256xf32> to vector<64x256xf32>
    %swap3A_306 = vector.shape_cast %slice3A_300 : vector<64x256xf32> to vector<1x64x256xf32>
    tpu.vector_store %arg3[%swap3A_301, %swap3A_302, %swap3A_303], %swap3A_306 {strides = array<i32>} : memref<50x64x256xf32, #tpu.memory_space<vmem>>, vector<1x64x256xf32>,
    %get3A_307 = tpu.memref_reshape %arg1 : memref<6400x128xf32, #tpu.memory_space<vmem>> -> memref<256x25x128xf32, #tpu.memory_space<vmem>>
    %get3A_308 = arith.constant 0 : index
    %get3A_309 = arith.constant 14 : index
    %get3A_310 = arith.constant 0 : index
    %get3A_311 = vector.load %get3A_307[%get3A_308, %get3A_309, %get3A_310] : memref<256x25x128xf32, #tpu.memory_space<vmem>>, vector<256x1x128xf32>
    %get3A_312 = vector.shape_cast %get3A_311 : vector<256x1x128xf32> to vector<256x128xf32>
    %dot_general3A_313 = arith.constant dense<0.000000e+00> : vector<128x256xf32>
    %dot_general3A_314 = tpu.matmul %get3A_312, %get3A_1, %dot_general3A_313 {dimension_numbers = #tpu.dot_dimension_numbers<[0], [0], [1], [1], [0, 1, 1, 1], [], []>, transpose_lhs_hint = false} : vector<256x128xf32>, vector<256x256xf32>, vector<128x256xf32> -> vector<128x256xf32>
    %slice3A_315 = vector.extract_strided_slice %dot_general3A_314 {offsets = [0, 0], sizes = [64, 256], strides = [1, 1]} : vector<128x256xf32> to vector<64x256xf32>
    %swap3A_316 = arith.constant 28 : index
    %swap3A_317 = arith.constant 0 : index
    %swap3A_318 = arith.constant 0 : index
    %swap3A_319 = vector.load %arg3[%swap3A_316, %swap3A_317, %swap3A_318] : memref<50x64x256xf32, #tpu.memory_space<vmem>>, vector<1x64x256xf32>
    %swap3A_320 = vector.shape_cast %swap3A_319 : vector<1x64x256xf32> to vector<64x256xf32>
    %swap3A_321 = vector.shape_cast %slice3A_315 : vector<64x256xf32> to vector<1x64x256xf32>
    tpu.vector_store %arg3[%swap3A_316, %swap3A_317, %swap3A_318], %swap3A_321 {strides = array<i32>} : memref<50x64x256xf32, #tpu.memory_space<vmem>>, vector<1x64x256xf32>,
    %slice3A_322 = vector.extract_strided_slice %dot_general3A_314 {offsets = [64, 0], sizes = [64, 256], strides = [1, 1]} : vector<128x256xf32> to vector<64x256xf32>
    %swap3A_323 = arith.constant 29 : index
    %swap3A_324 = arith.constant 0 : index
    %swap3A_325 = arith.constant 0 : index
    %swap3A_326 = vector.load %arg3[%swap3A_323, %swap3A_324, %swap3A_325] : memref<50x64x256xf32, #tpu.memory_space<vmem>>, vector<1x64x256xf32>
    %swap3A_327 = vector.shape_cast %swap3A_326 : vector<1x64x256xf32> to vector<64x256xf32>
    %swap3A_328 = vector.shape_cast %slice3A_322 : vector<64x256xf32> to vector<1x64x256xf32>
    tpu.vector_store %arg3[%swap3A_323, %swap3A_324, %swap3A_325], %swap3A_328 {strides = array<i32>} : memref<50x64x256xf32, #tpu.memory_space<vmem>>, vector<1x64x256xf32>,
    %get3A_329 = tpu.memref_reshape %arg1 : memref<6400x128xf32, #tpu.memory_space<vmem>> -> memref<256x25x128xf32, #tpu.memory_space<vmem>>
    %get3A_330 = arith.constant 0 : index
    %get3A_331 = arith.constant 15 : index
    %get3A_332 = arith.constant 0 : index
    %get3A_333 = vector.load %get3A_329[%get3A_330, %get3A_331, %get3A_332] : memref<256x25x128xf32, #tpu.memory_space<vmem>>, vector<256x1x128xf32>
    %get3A_334 = vector.shape_cast %get3A_333 : vector<256x1x128xf32> to vector<256x128xf32>
    %dot_general3A_335 = arith.constant dense<0.000000e+00> : vector<128x256xf32>
    %dot_general3A_336 = tpu.matmul %get3A_334, %get3A_1, %dot_general3A_335 {dimension_numbers = #tpu.dot_dimension_numbers<[0], [0], [1], [1], [0, 1, 1, 1], [], []>, transpose_lhs_hint = false} : vector<256x128xf32>, vector<256x256xf32>, vector<128x256xf32> -> vector<128x256xf32>
    %slice3A_337 = vector.extract_strided_slice %dot_general3A_336 {offsets = [0, 0], sizes = [64, 256], strides = [1, 1]} : vector<128x256xf32> to vector<64x256xf32>
    %swap3A_338 = arith.constant 30 : index
    %swap3A_339 = arith.constant 0 : index
    %swap3A_340 = arith.constant 0 : index
    %swap3A_341 = vector.load %arg3[%swap3A_338, %swap3A_339, %swap3A_340] : memref<50x64x256xf32, #tpu.memory_space<vmem>>, vector<1x64x256xf32>
    %swap3A_342 = vector.shape_cast %swap3A_341 : vector<1x64x256xf32> to vector<64x256xf32>
    %swap3A_343 = vector.shape_cast %slice3A_337 : vector<64x256xf32> to vector<1x64x256xf32>
    tpu.vector_store %arg3[%swap3A_338, %swap3A_339, %swap3A_340], %swap3A_343 {strides = array<i32>} : memref<50x64x256xf32, #tpu.memory_space<vmem>>, vector<1x64x256xf32>,
    %slice3A_344 = vector.extract_strided_slice %dot_general3A_336 {offsets = [64, 0], sizes = [64, 256], strides = [1, 1]} : vector<128x256xf32> to vector<64x256xf32>
    %swap3A_345 = arith.constant 31 : index
    %swap3A_346 = arith.constant 0 : index
    %swap3A_347 = arith.constant 0 : index
    %swap3A_348 = vector.load %arg3[%swap3A_345, %swap3A_346, %swap3A_347] : memref<50x64x256xf32, #tpu.memory_space<vmem>>, vector<1x64x256xf32>
    %swap3A_349 = vector.shape_cast %swap3A_348 : vector<1x64x256xf32> to vector<64x256xf32>
    %swap3A_350 = vector.shape_cast %slice3A_344 : vector<64x256xf32> to vector<1x64x256xf32>
    tpu.vector_store %arg3[%swap3A_345, %swap3A_346, %swap3A_347], %swap3A_350 {strides = array<i32>} : memref<50x64x256xf32, #tpu.memory_space<vmem>>, vector<1x64x256xf32>,
    %get3A_351 = tpu.memref_reshape %arg1 : memref<6400x128xf32, #tpu.memory_space<vmem>> -> memref<256x25x128xf32, #tpu.memory_space<vmem>>
    %get3A_352 = arith.constant 0 : index
    %get3A_353 = arith.constant 16 : index
    %get3A_354 = arith.constant 0 : index
    %get3A_355 = vector.load %get3A_351[%get3A_352, %get3A_353, %get3A_354] : memref<256x25x128xf32, #tpu.memory_space<vmem>>, vector<256x1x128xf32>
    %get3A_356 = vector.shape_cast %get3A_355 : vector<256x1x128xf32> to vector<256x128xf32>
    %dot_general3A_357 = arith.constant dense<0.000000e+00> : vector<128x256xf32>
    %dot_general3A_358 = tpu.matmul %get3A_356, %get3A_1, %dot_general3A_357 {dimension_numbers = #tpu.dot_dimension_numbers<[0], [0], [1], [1], [0, 1, 1, 1], [], []>, transpose_lhs_hint = false} : vector<256x128xf32>, vector<256x256xf32>, vector<128x256xf32> -> vector<128x256xf32>
    %slice3A_359 = vector.extract_strided_slice %dot_general3A_358 {offsets = [0, 0], sizes = [64, 256], strides = [1, 1]} : vector<128x256xf32> to vector<64x256xf32>
    %swap3A_360 = arith.constant 32 : index
    %swap3A_361 = arith.constant 0 : index
    %swap3A_362 = arith.constant 0 : index
    %swap3A_363 = vector.load %arg3[%swap3A_360, %swap3A_361, %swap3A_362] : memref<50x64x256xf32, #tpu.memory_space<vmem>>, vector<1x64x256xf32>
    %swap3A_364 = vector.shape_cast %swap3A_363 : vector<1x64x256xf32> to vector<64x256xf32>
    %swap3A_365 = vector.shape_cast %slice3A_359 : vector<64x256xf32> to vector<1x64x256xf32>
    tpu.vector_store %arg3[%swap3A_360, %swap3A_361, %swap3A_362], %swap3A_365 {strides = array<i32>} : memref<50x64x256xf32, #tpu.memory_space<vmem>>, vector<1x64x256xf32>,
    %slice3A_366 = vector.extract_strided_slice %dot_general3A_358 {offsets = [64, 0], sizes = [64, 256], strides = [1, 1]} : vector<128x256xf32> to vector<64x256xf32>
    %swap3A_367 = arith.constant 33 : index
    %swap3A_368 = arith.constant 0 : index
    %swap3A_369 = arith.constant 0 : index
    %swap3A_370 = vector.load %arg3[%swap3A_367, %swap3A_368, %swap3A_369] : memref<50x64x256xf32, #tpu.memory_space<vmem>>, vector<1x64x256xf32>
    %swap3A_371 = vector.shape_cast %swap3A_370 : vector<1x64x256xf32> to vector<64x256xf32>
    %swap3A_372 = vector.shape_cast %slice3A_366 : vector<64x256xf32> to vector<1x64x256xf32>
    tpu.vector_store %arg3[%swap3A_367, %swap3A_368, %swap3A_369], %swap3A_372 {strides = array<i32>} : memref<50x64x256xf32, #tpu.memory_space<vmem>>, vector<1x64x256xf32>,
    %get3A_373 = tpu.memref_reshape %arg1 : memref<6400x128xf32, #tpu.memory_space<vmem>> -> memref<256x25x128xf32, #tpu.memory_space<vmem>>
    %get3A_374 = arith.constant 0 : index
    %get3A_375 = arith.constant 17 : index
    %get3A_376 = arith.constant 0 : index
    %get3A_377 = vector.load %get3A_373[%get3A_374, %get3A_375, %get3A_376] : memref<256x25x128xf32, #tpu.memory_space<vmem>>, vector<256x1x128xf32>
    %get3A_378 = vector.shape_cast %get3A_377 : vector<256x1x128xf32> to vector<256x128xf32>
    %dot_general3A_379 = arith.constant dense<0.000000e+00> : vector<128x256xf32>
    %dot_general3A_380 = tpu.matmul %get3A_378, %get3A_1, %dot_general3A_379 {dimension_numbers = #tpu.dot_dimension_numbers<[0], [0], [1], [1], [0, 1, 1, 1], [], []>, transpose_lhs_hint = false} : vector<256x128xf32>, vector<256x256xf32>, vector<128x256xf32> -> vector<128x256xf32>
    %slice3A_381 = vector.extract_strided_slice %dot_general3A_380 {offsets = [0, 0], sizes = [64, 256], strides = [1, 1]} : vector<128x256xf32> to vector<64x256xf32>
    %swap3A_382 = arith.constant 34 : index
    %swap3A_383 = arith.constant 0 : index
    %swap3A_384 = arith.constant 0 : index
    %swap3A_385 = vector.load %arg3[%swap3A_382, %swap3A_383, %swap3A_384] : memref<50x64x256xf32, #tpu.memory_space<vmem>>, vector<1x64x256xf32>
    %swap3A_386 = vector.shape_cast %swap3A_385 : vector<1x64x256xf32> to vector<64x256xf32>
    %swap3A_387 = vector.shape_cast %slice3A_381 : vector<64x256xf32> to vector<1x64x256xf32>
    tpu.vector_store %arg3[%swap3A_382, %swap3A_383, %swap3A_384], %swap3A_387 {strides = array<i32>} : memref<50x64x256xf32, #tpu.memory_space<vmem>>, vector<1x64x256xf32>,
    %slice3A_388 = vector.extract_strided_slice %dot_general3A_380 {offsets = [64, 0], sizes = [64, 256], strides = [1, 1]} : vector<128x256xf32> to vector<64x256xf32>
    %swap3A_389 = arith.constant 35 : index
    %swap3A_390 = arith.constant 0 : index
    %swap3A_391 = arith.constant 0 : index
    %swap3A_392 = vector.load %arg3[%swap3A_389, %swap3A_390, %swap3A_391] : memref<50x64x256xf32, #tpu.memory_space<vmem>>, vector<1x64x256xf32>
    %swap3A_393 = vector.shape_cast %swap3A_392 : vector<1x64x256xf32> to vector<64x256xf32>
    %swap3A_394 = vector.shape_cast %slice3A_388 : vector<64x256xf32> to vector<1x64x256xf32>
    tpu.vector_store %arg3[%swap3A_389, %swap3A_390, %swap3A_391], %swap3A_394 {strides = array<i32>} : memref<50x64x256xf32, #tpu.memory_space<vmem>>, vector<1x64x256xf32>,
    %get3A_395 = tpu.memref_reshape %arg1 : memref<6400x128xf32, #tpu.memory_space<vmem>> -> memref<256x25x128xf32, #tpu.memory_space<vmem>>
    %get3A_396 = arith.constant 0 : index
    %get3A_397 = arith.constant 18 : index
    %get3A_398 = arith.constant 0 : index
    %get3A_399 = vector.load %get3A_395[%get3A_396, %get3A_397, %get3A_398] : memref<256x25x128xf32, #tpu.memory_space<vmem>>, vector<256x1x128xf32>
    %get3A_400 = vector.shape_cast %get3A_399 : vector<256x1x128xf32> to vector<256x128xf32>
    %dot_general3A_401 = arith.constant dense<0.000000e+00> : vector<128x256xf32>
    %dot_general3A_402 = tpu.matmul %get3A_400, %get3A_1, %dot_general3A_401 {dimension_numbers = #tpu.dot_dimension_numbers<[0], [0], [1], [1], [0, 1, 1, 1], [], []>, transpose_lhs_hint = false} : vector<256x128xf32>, vector<256x256xf32>, vector<128x256xf32> -> vector<128x256xf32>
    %slice3A_403 = vector.extract_strided_slice %dot_general3A_402 {offsets = [0, 0], sizes = [64, 256], strides = [1, 1]} : vector<128x256xf32> to vector<64x256xf32>
    %swap3A_404 = arith.constant 36 : index
    %swap3A_405 = arith.constant 0 : index
    %swap3A_406 = arith.constant 0 : index
    %swap3A_407 = vector.load %arg3[%swap3A_404, %swap3A_405, %swap3A_406] : memref<50x64x256xf32, #tpu.memory_space<vmem>>, vector<1x64x256xf32>
    %swap3A_408 = vector.shape_cast %swap3A_407 : vector<1x64x256xf32> to vector<64x256xf32>
    %swap3A_409 = vector.shape_cast %slice3A_403 : vector<64x256xf32> to vector<1x64x256xf32>
    tpu.vector_store %arg3[%swap3A_404, %swap3A_405, %swap3A_406], %swap3A_409 {strides = array<i32>} : memref<50x64x256xf32, #tpu.memory_space<vmem>>, vector<1x64x256xf32>,
    %slice3A_410 = vector.extract_strided_slice %dot_general3A_402 {offsets = [64, 0], sizes = [64, 256], strides = [1, 1]} : vector<128x256xf32> to vector<64x256xf32>
    %swap3A_411 = arith.constant 37 : index
    %swap3A_412 = arith.constant 0 : index
    %swap3A_413 = arith.constant 0 : index
    %swap3A_414 = vector.load %arg3[%swap3A_411, %swap3A_412, %swap3A_413] : memref<50x64x256xf32, #tpu.memory_space<vmem>>, vector<1x64x256xf32>
    %swap3A_415 = vector.shape_cast %swap3A_414 : vector<1x64x256xf32> to vector<64x256xf32>
    %swap3A_416 = vector.shape_cast %slice3A_410 : vector<64x256xf32> to vector<1x64x256xf32>
    tpu.vector_store %arg3[%swap3A_411, %swap3A_412, %swap3A_413], %swap3A_416 {strides = array<i32>} : memref<50x64x256xf32, #tpu.memory_space<vmem>>, vector<1x64x256xf32>,
    %get3A_417 = tpu.memref_reshape %arg1 : memref<6400x128xf32, #tpu.memory_space<vmem>> -> memref<256x25x128xf32, #tpu.memory_space<vmem>>
    %get3A_418 = arith.constant 0 : index
    %get3A_419 = arith.constant 19 : index
    %get3A_420 = arith.constant 0 : index
    %get3A_421 = vector.load %get3A_417[%get3A_418, %get3A_419, %get3A_420] : memref<256x25x128xf32, #tpu.memory_space<vmem>>, vector<256x1x128xf32>
    %get3A_422 = vector.shape_cast %get3A_421 : vector<256x1x128xf32> to vector<256x128xf32>
    %dot_general3A_423 = arith.constant dense<0.000000e+00> : vector<128x256xf32>
    %dot_general3A_424 = tpu.matmul %get3A_422, %get3A_1, %dot_general3A_423 {dimension_numbers = #tpu.dot_dimension_numbers<[0], [0], [1], [1], [0, 1, 1, 1], [], []>, transpose_lhs_hint = false} : vector<256x128xf32>, vector<256x256xf32>, vector<128x256xf32> -> vector<128x256xf32>
    %slice3A_425 = vector.extract_strided_slice %dot_general3A_424 {offsets = [0, 0], sizes = [64, 256], strides = [1, 1]} : vector<128x256xf32> to vector<64x256xf32>
    %swap3A_426 = arith.constant 38 : index
    %swap3A_427 = arith.constant 0 : index
    %swap3A_428 = arith.constant 0 : index
    %swap3A_429 = vector.load %arg3[%swap3A_426, %swap3A_427, %swap3A_428] : memref<50x64x256xf32, #tpu.memory_space<vmem>>, vector<1x64x256xf32>
    %swap3A_430 = vector.shape_cast %swap3A_429 : vector<1x64x256xf32> to vector<64x256xf32>
    %swap3A_431 = vector.shape_cast %slice3A_425 : vector<64x256xf32> to vector<1x64x256xf32>
    tpu.vector_store %arg3[%swap3A_426, %swap3A_427, %swap3A_428], %swap3A_431 {strides = array<i32>} : memref<50x64x256xf32, #tpu.memory_space<vmem>>, vector<1x64x256xf32>,
    %slice3A_432 = vector.extract_strided_slice %dot_general3A_424 {offsets = [64, 0], sizes = [64, 256], strides = [1, 1]} : vector<128x256xf32> to vector<64x256xf32>
    %swap3A_433 = arith.constant 39 : index
    %swap3A_434 = arith.constant 0 : index
    %swap3A_435 = arith.constant 0 : index
    %swap3A_436 = vector.load %arg3[%swap3A_433, %swap3A_434, %swap3A_435] : memref<50x64x256xf32, #tpu.memory_space<vmem>>, vector<1x64x256xf32>
    %swap3A_437 = vector.shape_cast %swap3A_436 : vector<1x64x256xf32> to vector<64x256xf32>
    %swap3A_438 = vector.shape_cast %slice3A_432 : vector<64x256xf32> to vector<1x64x256xf32>
    tpu.vector_store %arg3[%swap3A_433, %swap3A_434, %swap3A_435], %swap3A_438 {strides = array<i32>} : memref<50x64x256xf32, #tpu.memory_space<vmem>>, vector<1x64x256xf32>,
    %get3A_439 = tpu.memref_reshape %arg1 : memref<6400x128xf32, #tpu.memory_space<vmem>> -> memref<256x25x128xf32, #tpu.memory_space<vmem>>
    %get3A_440 = arith.constant 0 : index
    %get3A_441 = arith.constant 20 : index
    %get3A_442 = arith.constant 0 : index
    %get3A_443 = vector.load %get3A_439[%get3A_440, %get3A_441, %get3A_442] : memref<256x25x128xf32, #tpu.memory_space<vmem>>, vector<256x1x128xf32>
    %get3A_444 = vector.shape_cast %get3A_443 : vector<256x1x128xf32> to vector<256x128xf32>
    %dot_general3A_445 = arith.constant dense<0.000000e+00> : vector<128x256xf32>
    %dot_general3A_446 = tpu.matmul %get3A_444, %get3A_1, %dot_general3A_445 {dimension_numbers = #tpu.dot_dimension_numbers<[0], [0], [1], [1], [0, 1, 1, 1], [], []>, transpose_lhs_hint = false} : vector<256x128xf32>, vector<256x256xf32>, vector<128x256xf32> -> vector<128x256xf32>
    %slice3A_447 = vector.extract_strided_slice %dot_general3A_446 {offsets = [0, 0], sizes = [64, 256], strides = [1, 1]} : vector<128x256xf32> to vector<64x256xf32>
    %swap3A_448 = arith.constant 40 : index
    %swap3A_449 = arith.constant 0 : index
    %swap3A_450 = arith.constant 0 : index
    %swap3A_451 = vector.load %arg3[%swap3A_448, %swap3A_449, %swap3A_450] : memref<50x64x256xf32, #tpu.memory_space<vmem>>, vector<1x64x256xf32>
    %swap3A_452 = vector.shape_cast %swap3A_451 : vector<1x64x256xf32> to vector<64x256xf32>
    %swap3A_453 = vector.shape_cast %slice3A_447 : vector<64x256xf32> to vector<1x64x256xf32>
    tpu.vector_store %arg3[%swap3A_448, %swap3A_449, %swap3A_450], %swap3A_453 {strides = array<i32>} : memref<50x64x256xf32, #tpu.memory_space<vmem>>, vector<1x64x256xf32>,
    %slice3A_454 = vector.extract_strided_slice %dot_general3A_446 {offsets = [64, 0], sizes = [64, 256], strides = [1, 1]} : vector<128x256xf32> to vector<64x256xf32>
    %swap3A_455 = arith.constant 41 : index
    %swap3A_456 = arith.constant 0 : index
    %swap3A_457 = arith.constant 0 : index
    %swap3A_458 = vector.load %arg3[%swap3A_455, %swap3A_456, %swap3A_457] : memref<50x64x256xf32, #tpu.memory_space<vmem>>, vector<1x64x256xf32>
    %swap3A_459 = vector.shape_cast %swap3A_458 : vector<1x64x256xf32> to vector<64x256xf32>
    %swap3A_460 = vector.shape_cast %slice3A_454 : vector<64x256xf32> to vector<1x64x256xf32>
    tpu.vector_store %arg3[%swap3A_455, %swap3A_456, %swap3A_457], %swap3A_460 {strides = array<i32>} : memref<50x64x256xf32, #tpu.memory_space<vmem>>, vector<1x64x256xf32>,
    %get3A_461 = tpu.memref_reshape %arg1 : memref<6400x128xf32, #tpu.memory_space<vmem>> -> memref<256x25x128xf32, #tpu.memory_space<vmem>>
    %get3A_462 = arith.constant 0 : index
    %get3A_463 = arith.constant 21 : index
    %get3A_464 = arith.constant 0 : index
    %get3A_465 = vector.load %get3A_461[%get3A_462, %get3A_463, %get3A_464] : memref<256x25x128xf32, #tpu.memory_space<vmem>>, vector<256x1x128xf32>
    %get3A_466 = vector.shape_cast %get3A_465 : vector<256x1x128xf32> to vector<256x128xf32>
    %dot_general3A_467 = arith.constant dense<0.000000e+00> : vector<128x256xf32>
    %dot_general3A_468 = tpu.matmul %get3A_466, %get3A_1, %dot_general3A_467 {dimension_numbers = #tpu.dot_dimension_numbers<[0], [0], [1], [1], [0, 1, 1, 1], [], []>, transpose_lhs_hint = false} : vector<256x128xf32>, vector<256x256xf32>, vector<128x256xf32> -> vector<128x256xf32>
    %slice3A_469 = vector.extract_strided_slice %dot_general3A_468 {offsets = [0, 0], sizes = [64, 256], strides = [1, 1]} : vector<128x256xf32> to vector<64x256xf32>
    %swap3A_470 = arith.constant 42 : index
    %swap3A_471 = arith.constant 0 : index
    %swap3A_472 = arith.constant 0 : index
    %swap3A_473 = vector.load %arg3[%swap3A_470, %swap3A_471, %swap3A_472] : memref<50x64x256xf32, #tpu.memory_space<vmem>>, vector<1x64x256xf32>
    %swap3A_474 = vector.shape_cast %swap3A_473 : vector<1x64x256xf32> to vector<64x256xf32>
    %swap3A_475 = vector.shape_cast %slice3A_469 : vector<64x256xf32> to vector<1x64x256xf32>
    tpu.vector_store %arg3[%swap3A_470, %swap3A_471, %swap3A_472], %swap3A_475 {strides = array<i32>} : memref<50x64x256xf32, #tpu.memory_space<vmem>>, vector<1x64x256xf32>,
    %slice3A_476 = vector.extract_strided_slice %dot_general3A_468 {offsets = [64, 0], sizes = [64, 256], strides = [1, 1]} : vector<128x256xf32> to vector<64x256xf32>
    %swap3A_477 = arith.constant 43 : index
    %swap3A_478 = arith.constant 0 : index
    %swap3A_479 = arith.constant 0 : index
    %swap3A_480 = vector.load %arg3[%swap3A_477, %swap3A_478, %swap3A_479] : memref<50x64x256xf32, #tpu.memory_space<vmem>>, vector<1x64x256xf32>
    %swap3A_481 = vector.shape_cast %swap3A_480 : vector<1x64x256xf32> to vector<64x256xf32>
    %swap3A_482 = vector.shape_cast %slice3A_476 : vector<64x256xf32> to vector<1x64x256xf32>
    tpu.vector_store %arg3[%swap3A_477, %swap3A_478, %swap3A_479], %swap3A_482 {strides = array<i32>} : memref<50x64x256xf32, #tpu.memory_space<vmem>>, vector<1x64x256xf32>,
    %get3A_483 = tpu.memref_reshape %arg1 : memref<6400x128xf32, #tpu.memory_space<vmem>> -> memref<256x25x128xf32, #tpu.memory_space<vmem>>
    %get3A_484 = arith.constant 0 : index
    %get3A_485 = arith.constant 22 : index
    %get3A_486 = arith.constant 0 : index
    %get3A_487 = vector.load %get3A_483[%get3A_484, %get3A_485, %get3A_486] : memref<256x25x128xf32, #tpu.memory_space<vmem>>, vector<256x1x128xf32>
    %get3A_488 = vector.shape_cast %get3A_487 : vector<256x1x128xf32> to vector<256x128xf32>
    %dot_general3A_489 = arith.constant dense<0.000000e+00> : vector<128x256xf32>
    %dot_general3A_490 = tpu.matmul %get3A_488, %get3A_1, %dot_general3A_489 {dimension_numbers = #tpu.dot_dimension_numbers<[0], [0], [1], [1], [0, 1, 1, 1], [], []>, transpose_lhs_hint = false} : vector<256x128xf32>, vector<256x256xf32>, vector<128x256xf32> -> vector<128x256xf32>
    %slice3A_491 = vector.extract_strided_slice %dot_general3A_490 {offsets = [0, 0], sizes = [64, 256], strides = [1, 1]} : vector<128x256xf32> to vector<64x256xf32>
    %swap3A_492 = arith.constant 44 : index
    %swap3A_493 = arith.constant 0 : index
    %swap3A_494 = arith.constant 0 : index
    %swap3A_495 = vector.load %arg3[%swap3A_492, %swap3A_493, %swap3A_494] : memref<50x64x256xf32, #tpu.memory_space<vmem>>, vector<1x64x256xf32>
    %swap3A_496 = vector.shape_cast %swap3A_495 : vector<1x64x256xf32> to vector<64x256xf32>
    %swap3A_497 = vector.shape_cast %slice3A_491 : vector<64x256xf32> to vector<1x64x256xf32>
    tpu.vector_store %arg3[%swap3A_492, %swap3A_493, %swap3A_494], %swap3A_497 {strides = array<i32>} : memref<50x64x256xf32, #tpu.memory_space<vmem>>, vector<1x64x256xf32>,
    %slice3A_498 = vector.extract_strided_slice %dot_general3A_490 {offsets = [64, 0], sizes = [64, 256], strides = [1, 1]} : vector<128x256xf32> to vector<64x256xf32>
    %swap3A_499 = arith.constant 45 : index
    %swap3A_500 = arith.constant 0 : index
    %swap3A_501 = arith.constant 0 : index
    %swap3A_502 = vector.load %arg3[%swap3A_499, %swap3A_500, %swap3A_501] : memref<50x64x256xf32, #tpu.memory_space<vmem>>, vector<1x64x256xf32>
    %swap3A_503 = vector.shape_cast %swap3A_502 : vector<1x64x256xf32> to vector<64x256xf32>
    %swap3A_504 = vector.shape_cast %slice3A_498 : vector<64x256xf32> to vector<1x64x256xf32>
    tpu.vector_store %arg3[%swap3A_499, %swap3A_500, %swap3A_501], %swap3A_504 {strides = array<i32>} : memref<50x64x256xf32, #tpu.memory_space<vmem>>, vector<1x64x256xf32>,
    %get3A_505 = tpu.memref_reshape %arg1 : memref<6400x128xf32, #tpu.memory_space<vmem>> -> memref<256x25x128xf32, #tpu.memory_space<vmem>>
    %get3A_506 = arith.constant 0 : index
    %get3A_507 = arith.constant 23 : index
    %get3A_508 = arith.constant 0 : index
    %get3A_509 = vector.load %get3A_505[%get3A_506, %get3A_507, %get3A_508] : memref<256x25x128xf32, #tpu.memory_space<vmem>>, vector<256x1x128xf32>
    %get3A_510 = vector.shape_cast %get3A_509 : vector<256x1x128xf32> to vector<256x128xf32>
    %dot_general3A_511 = arith.constant dense<0.000000e+00> : vector<128x256xf32>
    %dot_general3A_512 = tpu.matmul %get3A_510, %get3A_1, %dot_general3A_511 {dimension_numbers = #tpu.dot_dimension_numbers<[0], [0], [1], [1], [0, 1, 1, 1], [], []>, transpose_lhs_hint = false} : vector<256x128xf32>, vector<256x256xf32>, vector<128x256xf32> -> vector<128x256xf32>
    %slice3A_513 = vector.extract_strided_slice %dot_general3A_512 {offsets = [0, 0], sizes = [64, 256], strides = [1, 1]} : vector<128x256xf32> to vector<64x256xf32>
    %swap3A_514 = arith.constant 46 : index
    %swap3A_515 = arith.constant 0 : index
    %swap3A_516 = arith.constant 0 : index
    %swap3A_517 = vector.load %arg3[%swap3A_514, %swap3A_515, %swap3A_516] : memref<50x64x256xf32, #tpu.memory_space<vmem>>, vector<1x64x256xf32>
    %swap3A_518 = vector.shape_cast %swap3A_517 : vector<1x64x256xf32> to vector<64x256xf32>
    %swap3A_519 = vector.shape_cast %slice3A_513 : vector<64x256xf32> to vector<1x64x256xf32>
    tpu.vector_store %arg3[%swap3A_514, %swap3A_515, %swap3A_516], %swap3A_519 {strides = array<i32>} : memref<50x64x256xf32, #tpu.memory_space<vmem>>, vector<1x64x256xf32>,
    %slice3A_520 = vector.extract_strided_slice %dot_general3A_512 {offsets = [64, 0], sizes = [64, 256], strides = [1, 1]} : vector<128x256xf32> to vector<64x256xf32>
    %swap3A_521 = arith.constant 47 : index
    %swap3A_522 = arith.constant 0 : index
    %swap3A_523 = arith.constant 0 : index
    %swap3A_524 = vector.load %arg3[%swap3A_521, %swap3A_522, %swap3A_523] : memref<50x64x256xf32, #tpu.memory_space<vmem>>, vector<1x64x256xf32>
    %swap3A_525 = vector.shape_cast %swap3A_524 : vector<1x64x256xf32> to vector<64x256xf32>
    %swap3A_526 = vector.shape_cast %slice3A_520 : vector<64x256xf32> to vector<1x64x256xf32>
    tpu.vector_store %arg3[%swap3A_521, %swap3A_522, %swap3A_523], %swap3A_526 {strides = array<i32>} : memref<50x64x256xf32, #tpu.memory_space<vmem>>, vector<1x64x256xf32>,
    %get3A_527 = tpu.memref_reshape %arg1 : memref<6400x128xf32, #tpu.memory_space<vmem>> -> memref<256x25x128xf32, #tpu.memory_space<vmem>>
    %get3A_528 = arith.constant 0 : index
    %get3A_529 = arith.constant 24 : index
    %get3A_530 = arith.constant 0 : index
    %get3A_531 = vector.load %get3A_527[%get3A_528, %get3A_529, %get3A_530] : memref<256x25x128xf32, #tpu.memory_space<vmem>>, vector<256x1x128xf32>
    %get3A_532 = vector.shape_cast %get3A_531 : vector<256x1x128xf32> to vector<256x128xf32>
    %dot_general3A_533 = arith.constant dense<0.000000e+00> : vector<128x256xf32>
    %dot_general3A_534 = tpu.matmul %get3A_532, %get3A_1, %dot_general3A_533 {dimension_numbers = #tpu.dot_dimension_numbers<[0], [0], [1], [1], [0, 1, 1, 1], [], []>, transpose_lhs_hint = false} : vector<256x128xf32>, vector<256x256xf32>, vector<128x256xf32> -> vector<128x256xf32>
    %slice3A_535 = vector.extract_strided_slice %dot_general3A_534 {offsets = [0, 0], sizes = [64, 256], strides = [1, 1]} : vector<128x256xf32> to vector<64x256xf32>
    %swap3A_536 = arith.constant 48 : index
    %swap3A_537 = arith.constant 0 : index
    %swap3A_538 = arith.constant 0 : index
    %swap3A_539 = vector.load %arg3[%swap3A_536, %swap3A_537, %swap3A_538] : memref<50x64x256xf32, #tpu.memory_space<vmem>>, vector<1x64x256xf32>
    %swap3A_540 = vector.shape_cast %swap3A_539 : vector<1x64x256xf32> to vector<64x256xf32>
    %swap3A_541 = vector.shape_cast %slice3A_535 : vector<64x256xf32> to vector<1x64x256xf32>
    tpu.vector_store %arg3[%swap3A_536, %swap3A_537, %swap3A_538], %swap3A_541 {strides = array<i32>} : memref<50x64x256xf32, #tpu.memory_space<vmem>>, vector<1x64x256xf32>,
    %slice3A_542 = vector.extract_strided_slice %dot_general3A_534 {offsets = [64, 0], sizes = [64, 256], strides = [1, 1]} : vector<128x256xf32> to vector<64x256xf32>
    %swap3A_543 = arith.constant 49 : index
    %swap3A_544 = arith.constant 0 : index
    %swap3A_545 = arith.constant 0 : index
    %swap3A_546 = vector.load %arg3[%swap3A_543, %swap3A_544, %swap3A_545] : memref<50x64x256xf32, #tpu.memory_space<vmem>>, vector<1x64x256xf32>
    %swap3A_547 = vector.shape_cast %swap3A_546 : vector<1x64x256xf32> to vector<64x256xf32>
    %swap3A_548 = vector.shape_cast %slice3A_542 : vector<64x256xf32> to vector<1x64x256xf32>
    tpu.vector_store %arg3[%swap3A_543, %swap3A_544, %swap3A_545], %swap3A_548 {strides = array<i32>} : memref<50x64x256xf32, #tpu.memory_space<vmem>>, vector<1x64x256xf32>,
    return
  }
  func.func @transform_0(%arg0: i32) -> (i32, i32) {
    %c0_i32 = arith.constant 0 : i32
    %c0_i32_0 = arith.constant 0 : i32
    return %arg0, %c0_i32 : i32, i32
  }
  func.func @transform_1(%arg0: i32) -> (i32, i32) {
    %c0_i32 = arith.constant 0 : i32
    %c0_i32_0 = arith.constant 0 : i32
    %c0_i32_1 = arith.constant 0 : i32
    return %c0_i32, %c0_i32_0 : i32, i32
  }
  func.func @transform_2(%arg0: i32) -> (i32, i32, i32) {
    %c0_i32 = arith.constant 0 : i32
    %c0_i32_0 = arith.constant 0 : i32
    %c0_i32_1 = arith.constant 0 : i32
    return %c0_i32, %c0_i32_0, %arg0 : i32, i32, i32
  }
}

</mosaic_0001>

<sc_bundles>
// kernel: kernel.5.cloned.1.call-start
scs
__scs_entry_jumppad:
0x0: {  	(pc) =	sbr.rel $0x88, $3  }
0x1: {  	(tag) =	ssettag $0x0;
	lr =	simm.s32 $0x1  }
0x2: {  	[smem:$0x3F9D] =	sst lr;
	_ =	strace $0xD0000000  }
0x3: {  	_ = 	snop  }
0x4: {  	_ = 	snop  }
0x5: {  	_ = 	snop  }
0x6: {  	_ = 	snop  }
0x7: {  	_ = 	snop  }
__scs_overlays_trampoline_lowered:
0x8: {  	[smem:$0x3FAC] =	sst s0  }
0x9: {  	[smem:$0x3FAD] =	sst s1  }
0xa: {  	[smem:$0x3FAE] =	sst s2  }
0xb: {  	[smem:$0x3FAF] =	sst s3  }
0xc: {  	[smem:$0x3FB0] =	sst s4  }
0xd: {  	[smem:$0x3FB1] =	sst s5  }
0xe: {  	[smem:$0x3FB2] =	sst s6  }
0xf: {  	[smem:$0x3FB3] =	sst s7  }
0x10: {  	[smem:$0x3FB4] =	sst s8  }
0x11: {  	[smem:$0x3FB5] =	sst s9;
	s0 =	simm.s32 @!p0 $0x0  }
0x12: {  	s1 =	sld [smem:$0x3F9B];
	s0 =	simm.s32 @p0 $0x1  }
0x13: {  	[smem:$0x3FB6] =	sst s0;
	s0 =	simm.s32 @!p1 $0x0  }
0x14: {  	s2 =	sld [smem:$0x3F9A];
	s0 =	simm.s32 @p1 $0x1  }
0x15: {  	[smem:$0x3FB7] =	sst s0;
	s0 =	simm.s32 @!p2 $0x0  }
0x16: {  	s3 =	sld [smem:$0x3FDB];
	s0 =	simm.s32 @p2 $0x1  }
0x17: {  	s4 =	simm.s32 $0x1BF5;
	[smem:$0x3FB9] =	sst s0  }
0x18: {  	s0 =	sld [smem:$0x3F9C];
	_ =	swait.ge [sflag:s4], $0x0  }
0x19: {  	s7 =	sld [smem:$0x3F9D]  }
0x1a: {  	s8 =	sadd.s32 $0xFFFFE003, lr  }
0x1b: {  	s9 =	sadd.s32 $0xFFFFFEF7, lr;
	s5 =	simm.s32 $0xFFFFFFFF;
	p2 =	slt.u32 s8, $0xFFFFF086  }
0x1c: {  	p1 =	slt.u32 s9, $0xF7A;
	s5 =	simm.s32 @!p2 $0x0  }
0x1d: {  	s5 =	simm.s32 @p1 $0x1;
	p0 =	seq.s32 s7, s2  }
0x1e: {  	s7 =	smul.u32 @!p0 $0xF7A, s2;
	p2 =	seq.s32 @!p0 s5, $0x0  }
0x1f: {  	s9 =	smul.u32 $0xF7A, s1;
	s8 =	simm.s32 @!p0 $0x1BF5;
	p2 =	por !p2, p0  }
0x20: {  	[sflag:s8] =	ssyncset.s32 @!p0 $0xFFFFF086;
	s6 =	sadd.s32 @!p0 s3, s7;
	s7 =	simm.s32 @!p0 $0x108  }
0x21: {  	s3 =	sadd.s32 s3, s9;
	s6 =	sadd.s32 @!p0 $0x88, s6;
	s7 =	simm.s32 @p2 $0x1082  }
0x22: {  	[simem:s7], [sflag:s8] =	dma.local @!p0 [hbm:s6], $0xF7A  }
0x23: {  	s9 =	sor.u32 $0xD0000000, s2;
	s6 =	simm.s32 $0x108;
	_ =	swait.ge @!p0 [sflag:s8], $0x0  }
0x24: {  	s3 =	sadd.s32 $0x88, s3;
	s6 =	simm.s32 @!p1 $0x1082;
	[sflag:s4] =	ssyncset.s32 $0xFFFFF086  }
0x25: {  	[simem:s6], [sflag:s4] =	dma.local [hbm:s3], $0xF7A  }
0x26: {  	[smem:$0x3F9D] =	sst s1;
	(tag) =	ssettag s2;
	_ =	strace s9  }
0x27: {  	s1 =	sld [smem:$0x3FAD]  }
0x28: {  	s2 =	sld [smem:$0x3FAE]  }
0x29: {  	s4 =	sld [smem:$0x3FB0]  }
0x2a: {  	p0 =	seq.s32 s5, $0x0;
	s5 =	sld [smem:$0x3FB1]  }
0x2b: {  	s6 =	sld [smem:$0x3FB2]  }
0x2c: {  	s7 =	sld [smem:$0x3FB3]  }
0x2d: {  	s3 =	simm.s32 $0x108;
	s8 =	sld [smem:$0x3FB4]  }
0x2e: {  	s3 =	simm.s32 @!p0 $0x1082;
	s9 =	sld [smem:$0x3FB5]  }
0x2f: {  	lr =	sadd.s32 s0, s3;
	s0 =	sld [smem:$0x3FAC]  }
0x30: {  	s3 =	sld [smem:$0x3FAF]  }
0x31: {  	[smem:$0x3FB8] =	sst s10  }
0x32: {  	s10 =	sld [smem:$0x3FB6];
	_ =	sdelay $0x3  }
0x33: {  	p0 =	seq.s32 s10, $0x1;
	s10 =	sld [smem:$0x3FB8];
	_ =	sdelay $0x3  }
0x34: {  	[smem:$0x3FB8] =	sst s10  }
0x35: {  	s10 =	sld [smem:$0x3FB7];
	_ =	sdelay $0x3  }
0x36: {  	p1 =	seq.s32 s10, $0x1;
	s10 =	sld [smem:$0x3FB8];
	_ =	sdelay $0x3  }
0x37: {  	[smem:$0x3FB8] =	sst s10  }
0x38: {  	s10 =	sld [smem:$0x3FB9]  }
0x39: {  	_ = 	snop;
	(pc) =	sbr.ind lr, $3  }
0x3a: {  	_ = 	snop  }
0x3b: {  	_ = 	snop  }
0x3c: {  	p2 =	seq.s32 s10, $0x1;
	s10 =	sld [smem:$0x3FB8]  }
0x3d: {  	_ =	shalt  }
0x3e: {  	_ =	shalt  }
0x3f: {  	_ =	shalt  }
0x40: {  	_ =	shalt  }
0x41: {  	_ =	shalt  }
0x42: {  	_ =	shalt  }
0x43: {  	_ =	shalt  }
0x44: {  	_ =	shalt  }
0x45: {  	_ =	shalt  }
0x46: {  	_ =	shalt  }
0x47: {  	_ =	shalt  }
0x48: {  	_ =	shalt  }
0x49: {  	_ =	shalt  }
0x4a: {  	_ =	shalt  }
0x4b: {  	_ =	shalt  }
0x4c: {  	_ =	shalt  }
0x4d: {  	_ =	shalt  }
0x4e: {  	_ =	shalt  }
0x4f: {  	_ =	shalt  }
0x50: {  	_ =	shalt  }
0x51: {  	_ =	shalt  }
0x52: {  	_ =	shalt  }
0x53: {  	_ =	shalt  }
0x54: {  	_ =	shalt  }
0x55: {  	_ =	shalt  }
0x56: {  	_ =	shalt  }
0x57: {  	_ =	shalt  }
0x58: {  	_ =	shalt  }
0x59: {  	_ =	shalt  }
0x5a: {  	_ =	shalt  }
0x5b: {  	_ =	shalt  }
0x5c: {  	_ =	shalt  }
0x5d: {  	_ =	shalt  }
0x5e: {  	_ =	shalt  }
0x5f: {  	_ =	shalt  }
0x60: {  	_ =	shalt  }
0x61: {  	_ =	shalt  }
0x62: {  	_ =	shalt  }
0x63: {  	_ =	shalt  }
0x64: {  	_ =	shalt  }
0x65: {  	_ =	shalt  }
0x66: {  	_ =	shalt  }
0x67: {  	_ =	shalt  }
0x68: {  	_ =	shalt  }
0x69: {  	_ =	shalt  }
0x6a: {  	_ =	shalt  }
0x6b: {  	_ =	shalt  }
0x6c: {  	_ =	shalt  }
0x6d: {  	_ =	shalt  }
0x6e: {  	_ =	shalt  }
0x6f: {  	_ =	shalt  }
0x70: {  	_ =	shalt  }
0x71: {  	_ =	shalt  }
0x72: {  	_ =	shalt  }
0x73: {  	_ =	shalt  }
0x74: {  	_ =	shalt  }
0x75: {  	_ =	shalt  }
0x76: {  	_ =	shalt  }
0x77: {  	_ =	shalt  }
0x78: {  	_ =	shalt  }
0x79: {  	_ =	shalt  }
0x7a: {  	_ =	shalt  }
0x7b: {  	_ =	shalt  }
0x7c: {  	_ =	shalt  }
0x7d: {  	_ =	shalt  }
0x7e: {  	_ =	shalt  }
0x7f: {  	_ =	shalt  }
0x80: {  	_ =	shalt  }
0x81: {  	_ =	shalt  }
0x82: {  	_ =	shalt  }
0x83: {  	_ =	shalt  }
0x84: {  	_ =	shalt  }
0x85: {  	_ =	shalt  }
0x86: {  	_ =	shalt  }
0x87: {  	_ =	shalt  }
.Lfunc_end0:
.L_simem_size_0:
called_computation_lowered:
.L_overlay_start_0:
0x88: {  	s2 =	sld [smem:$0x3FD9]  }
0x89: {  	s3 =	sld [smem:$0x3FFE];
	_ =	sdelay $0x1  }
0x8a: {  	s1 =	srdreg.scid  }
0x8b: {  	s0 =	sand.u32 $0x1, s1  }
0x8c: {  	s17 =	sshll.u32 s0, $0xA;
	s2 =	sadd.s32 s3, s2  }
0x8d: {  	s2 =	sadd.s32 s2, s17  }
0x8e: {  	[smem:$0x3FC4] =	sst s2  }
0x8f: {  	_ = 	snop  }
0x90: {  	s2 =	sld [smem:$0x3FD0];
	(tm) =	ssettm $0x1  }
0x91: {  	s18 =	sld [smem:$0x3FFB];
	_ =	sdelay $0x3  }
0x92: {  	_ =	strace s18  }
0x93: {  	s3 =	sld [smem:$0x3FFC];
	_ =	sdelay $0x3  }
0x94: {  	_ =	strace s3  }
0x95: {  	s3 =	sld [smem:$0x3FFD];
	_ =	sdelay $0x3  }
0x96: {  	_ =	strace s3  }
0x97: {  	_ =	strace $0x8FFFFFFF  }
0x98: {  	s19 =	sld [smem:$0x3FDB];
	_ =	sdelay $0x1  }
0x99: {  	s4 =	simm.s32 $_scs_section_size  }
0x9a: {  	s5 =	simm.s32 $_size__tile_overlayer_lowered;
	s6 =	simm.s32 $_tile_overlayer_lowered  }
0x9b: {  	s22 =	simm.s32 $0x1BFF;
	s21 =	sshll.u32 s6, $0x1;
	s3 =	sadd.s32 s4, s19  }
0x9c: {  	s7 =	simm.s32 $0x0;
	s20 =	sshll.u32 s5, $0x1;
	s5 =	sadd.s32 s21, s3  }
0x9d: {  	[timem:s7], [sflag:s22] =	dma.local [hbm:s5], s20  }
0x9e: {  	_ =	swait.ge [sflag:s22], s20  }
0x9f: {  	s4 =	ssub.s32 $0x0, s20;
	[sflag:s22] =	ssyncset.done $0x0  }
0xa0: {  	[sflag:s22] =	ssyncadd.s32 s4;
	_ =	sdelay $0x1  }
0xa1: {  	s23 =	simm.s32 $0x1B8B  }
0xa2: {  	_ =	swait.ge [sflag:s23], $0x1  }
0xa3: {  	[sflag:s23] =	ssyncset.done $0x0  }
0xa4: {  	s25 =	simm.s32 $0x1B8E;
	s24 =	sld [smem:$0x3FFE];
	[sflag:s23] =	ssyncadd.s32 $0xFFFFFFFF  }
0xa5: {  	s26 =	simm.s32 $execute0_lowered;
	[smem:$0x3FD2] =	sst s25  }
0xa6: {  	s5 =	sshll.u32 s26, $0x1;
	_ =	strace $0x80000046;
	[dreg:$0x1] =	wrdreg $0xFFFFFFFF  }
0xa7: {  	s28 =	simm.s32 $_size_execute0_lowered;
	s3 =	sadd.s32 s3, s5;
	[dreg:$0x0] =	wrdreg $0x0  }
0xa8: {  	s5 =	sshll.u32 s28, $0x1;
	[dreg:$0x2] =	wrdreg s3  }
0xa9: {  	[dreg:$0x3] =	wrdreg s5  }
0xaa: {  	[dreg:$0x4] =	wrdreg $0xC0  }
0xab: {  	_ =	task [dreg:s7], $0x5FFFF  }
0xac: {  	[dreg:$0x1] =	wrdreg $0xFFFFFFFF  }
0xad: {  	[dreg:$0x0] =	wrdreg $0x60  }
0xae: {  	[dreg:$0x2] =	wrdreg s2  }
0xaf: {  	[dreg:$0x3] =	wrdreg s24  }
0xb0: {  	[dreg:$0x4] =	wrdreg $0x9  }
0xb1: {  	_ =	task.clear_ibuf [dreg:s7], $0x5FFFF;
	_ =	strace $0x90000046  }
0xb2: {  	s29 =	simm.s32 $0x9;
	_ =	strace $0x80000048  }
0xb3: {  	_ =	swait.ge [sflag:s29], $0x1  }
0xb4: {  	[sflag:s29] =	ssyncadd.s32 $0xFFFFFFFF  }
0xb5: {  	_ =	strace $0x90000048  }
0xb6: {  	_ =	sfence  }
0xb7: {  	s30 =	sld [smem:$0x0];
	_ =	sdelay $0x2  }
0xb8: {  	s31 =	sshll.u32 s1, $0xD;
	s1 =	sshrl.u32 s1, $0x2  }
0xb9: {  	s3 =	sand.u32 $0x4000, s31;
	s1 =	sadd.s32 s1, s30  }
0xba: {  	s0 =	sor.u32 s3, s0;
	s1 =	sshll.u32 s1, $0x11  }
0xbb: {  	s0 =	sor.u32 s1, s0  }
0xbc: {  	s0 =	sadd.s32 $0x8F2B, s0  }
0xbd: {  	[sflag:s0] =	ssyncadd.remote.s32 $0x1  }
0xbe: {  	_ =	sfence.sel $0xFFFF  }
0xbf: {  	[dreg:$0x0] =	wrdreg $0xFFFFFFFF;
	(pc) =	sbr.abs _section_cstart, $3  }
0xc0: {  	[dreg:$0x1] =	wrdreg $0xFFFFFFFF  }
0xc1: {  	_ =	task.clear_ibuf [dreg:s7], $0x2FFFF;
	_ =	strace $0x9FFFFFFF  }
0xc2: {  	(tm) =	ssettm $0x7FFFFFFF  }
0xc3: {  	_ =	shalt  }
tec
execute0_lowered:
.L_overlay_start_1:
0x0: {  	(tag) =	ssettag $0x1  }
0x1: {  	s0 =	srdreg.scid;
	s2 =	rddreg [dreg:$0x0]  }
0x2: {  	s8 =	stileid.u32;
	s4 =	rddreg [dreg:$0x1]  }
0x3: {  	s3 =	simm.s32 $0x0;
	s17 =	simm.s32 $0x9;
	s28 =	simm.s32 $0x3  }
0x4: {  	s29 =	simm.s32 $0x5;
	s31 =	simm.s32 $0x4;
	s30 =	simm.s32 $0x0  }
0x5: {  	s0 =	sand.u32 $0x1, s0;
	s1 =	sshll.u32 s8, $0x1;
	s19 =	smul.u32 $0xC8000, s8  }
0x6: {  	s1 =	sor.u32 s0, s1;
	s6 =	ssub.s32 $0x2, s0;
	s0 =	smul.u32 $0x64000, s0  }
0x7: {  	[smem:$0x7FF] =	sst s3;
	s5 =	smul.u32 $0x320, s1;
	s7 =	sshrl.u32 s6, $0x1  }
0x8: {  	_ =	strace $0x80000047;
	s1 =	smul.u32 $0x64000, s1;
	s7 =	ssub.s32 s6, s7  }
0x9: {  	s0 =	sadd.s32 s0, s19;
	s19 =	simm.s32 $0x1900;
	s5 =	sadd.s32 s5, s4  }
0xa: {  	s4 =	sadd.s32 $0x6800, s4;
	s18 =	sshrl.u32 s1, $0x3;
	s1 =	sor.u32 $0x2000, s1  }
0xb: {  	s7 =	smax.u32 s7, $0x1;
	s24 =	sadd.s32 $0xE000, s0;
	s25 =	sadd.s32 $0xA000, s0  }
0xc: {  	s16 =	sadd.s32 $0x8000, s0;
	s5 =	sadd.s32 $0x400, s5;
	[dreg:$0x7] =	wrdreg s7  }
0xd: {  	s6 =	sadd.s32 s4, s18;
	s1 =	sshrl.u32 s1, $0x3;
	[dreg:$0x3] =	wrdreg s5  }
0xe: {  	s26 =	sshrl.u32 s25, $0x3;
	s20 =	sadd.s32 $0xC000, s6;
	[dreg:$0x4] =	wrdreg s6  }
0xf: {  	s18 =	simm.s32 $0x80;
	s21 =	sadd.s32 $0xC400, s6;
	[dreg:$0x5] =	wrdreg s20  }
0x10: {  	s25 =	simm.s32 $0x8;
	s1 =	sadd.s32 s4, s1;
	[dreg:$0x6] =	wrdreg s21  }
0x11: {  	s22 =	sadd.s32 $0x800, s6;
	s23 =	sadd.s32 $0xC00, s6;
	[dreg:$0x8] =	wrdreg s1  }
0x12: {  	s5 =	sadd.s32 $0xC000, s0;
	s15 =	sadd.s32 s26, s4;
	[dreg:$0x9] =	wrdreg s22  }
0x13: {  	s26 =	simm.s32 $0x7900;
	[dreg:$0xa] =	wrdreg s23;
	s1 =	sshrl.u32 s24, $0x3  }
0x14: {  	s5 =	sshrl.u32 s5, $0x3;
	s20 =	simm.s32 $0x3900;
	s21 =	simm.s32 $0x1  }
0x15: {  	s23 =	simm.s32 $0x5900;
	s24 =	simm.s32 $0x2;
	s22 =	simm.s32 $0x7  }
0x16: {  	s10 =	sadd.s32 s1, s4;
	s14 =	sadd.s32 s5, s4;
	s1 =	simm.s32 $0x6  }
.LBB2_1:
0x17: {  	s0 =	rddreg [dreg:$0x3]  }
0x18: {  	[tilespmem:s3], [sflag:$0x9] =	stream.linear.gather [hbm4b:s0+s3], $0x1900, $0x38;
	[tilespmem:$0x9900] =	vst v63  }
0x19: {  	_ =	swait.ge [sflag:s17], $0x1900  }
0x1a: {  	[sflag:s17] =	ssyncset.done $0x0  }
0x1b: {  	[sflag:s17] =	ssyncadd.s32 $0xFFFFE700  }
0x1c: {  	[tilespmem:s19], [sflag:$0x1] =	stream.indirect.gather [hbm4b:s2+s18], $0x40, s3, s18, $0xb8;
	[tilespmem:$0x9900] =	vst v63  }
0x1d: {  	_ = 	snop  }
0x1e: {  	[tilespmem:s20], [sflag:$0x2] =	stream.indirect.gather [hbm4b:s2+s18], $0x40, s18, s18, $0xb8;
	[tilespmem:$0x9900] =	vst v63  }
0x1f: {  	_ =	swait.ge [sflag:s21], $0x2000  }
0x20: {  	[sflag:s21] =	ssyncset.done $0x0  }
0x21: {  	s8 =	simm.s32 $0x100;
	[sflag:s21] =	ssyncadd.s32 $0xFFFFE000  }
0x22: {  	[tilespmem:s23], [sflag:$0x3] =	stream.indirect.gather [hbm4b:s2+s18], $0x40, s8, s18, $0xb8;
	[tilespmem:$0x9900] =	vst v63  }
0x23: {  	s9 =	rddreg [dreg:$0x4]  }
0x24: {  	[hbm4b:s9+s3] =	stream.linear.scatter [tilespmem:s19], [sflag:$0x5], $0x2000, $0x38;
	[tilespmem:$0x9900] =	vst v63  }
0x25: {  	_ =	swait.ge [sflag:s24], $0x2000  }
0x26: {  	[sflag:s24] =	ssyncset.done $0x0  }
0x27: {  	s11 =	simm.s32 $0x180;
	[sflag:s24] =	ssyncadd.s32 $0xFFFFE000  }
0x28: {  	[tilespmem:s26], [sflag:$0x4] =	stream.indirect.gather [hbm4b:s2+s18], $0x40, s11, s18, $0xb8;
	[tilespmem:$0x9900] =	vst v63  }
0x29: {  	s12 =	rddreg [dreg:$0x8]  }
0x2a: {  	[hbm4b:s12+s3] =	stream.linear.scatter [tilespmem:s20], [sflag:$0x6], $0x2000, $0x38;
	[tilespmem:$0x9900] =	vst v63  }
0x2b: {  	_ =	swait.ge [sflag:s28], $0x2000  }
0x2c: {  	[sflag:s28] =	ssyncset.done $0x0  }
0x2d: {  	[sflag:s28] =	ssyncadd.s32 $0xFFFFE000  }
0x2e: {  	_ =	swait.ge [sflag:s29], $0x2000  }
0x2f: {  	[sflag:s29] =	ssyncset.done $0x0  }
0x30: {  	s13 =	simm.s32 $0x200;
	[sflag:s29] =	ssyncadd.s32 $0xFFFFE000  }
0x31: {  	[tilespmem:s19], [sflag:$0x1] =	stream.indirect.gather [hbm4b:s2+s18], $0x40, s13, s18, $0xb8;
	[tilespmem:$0x9900] =	vst v63  }
0x32: {  	s5 =	rddreg [dreg:$0x9]  }
0x33: {  	[hbm4b:s5+s3] =	stream.linear.scatter [tilespmem:s23], [sflag:$0x7], $0x2000, $0x38;
	[tilespmem:$0x9900] =	vst v63  }
0x34: {  	_ =	swait.ge [sflag:s31], $0x2000  }
0x35: {  	[sflag:s31] =	ssyncset.done $0x0  }
0x36: {  	[sflag:s31] =	ssyncadd.s32 $0xFFFFE000  }
0x37: {  	_ =	swait.ge [sflag:s1], $0x2000  }
0x38: {  	[sflag:s1] =	ssyncset.done $0x0  }
0x39: {  	s6 =	simm.s32 $0x280;
	[sflag:s1] =	ssyncadd.s32 $0xFFFFE000  }
0x3a: {  	[tilespmem:s20], [sflag:$0x2] =	stream.indirect.gather [hbm4b:s2+s18], $0x40, s6, s18, $0xb8;
	[tilespmem:$0x9900] =	vst v63  }
0x3b: {  	s7 =	rddreg [dreg:$0xa]  }
0x3c: {  	[hbm4b:s7+s3] =	stream.linear.scatter [tilespmem:s26], [sflag:$0x8], $0x2000, $0x38;
	[tilespmem:$0x9900] =	vst v63  }
0x3d: {  	_ =	swait.ge [sflag:s21], $0x2000  }
0x3e: {  	[sflag:s21] =	ssyncset.done $0x0  }
0x3f: {  	[sflag:s21] =	ssyncadd.s32 $0xFFFFE000  }
0x40: {  	_ =	swait.ge [sflag:s22], $0x2000  }
0x41: {  	[sflag:s22] =	ssyncset.done $0x0  }
0x42: {  	s8 =	simm.s32 $0x300;
	s5 =	sshrl.u32 s16, $0x3;
	[sflag:s22] =	ssyncadd.s32 $0xFFFFE000  }
0x43: {  	[tilespmem:s23], [sflag:$0x3] =	stream.indirect.gather [hbm4b:s2+s18], $0x40, s8, s18, $0xb8;
	[tilespmem:$0x9900] =	vst v63  }
0x44: {  	s9 =	sadd.s32 s4, s5  }
0x45: {  	[hbm4b:s9+s3] =	stream.linear.scatter [tilespmem:s19], [sflag:$0x5], $0x2000, $0x38;
	[tilespmem:$0x9900] =	vst v63  }
0x46: {  	_ =	swait.ge [sflag:s24], $0x2000  }
0x47: {  	[sflag:s24] =	ssyncset.done $0x0  }
0x48: {  	[sflag:s24] =	ssyncadd.s32 $0xFFFFE000  }
0x49: {  	_ =	swait.ge [sflag:s25], $0x2000  }
0x4a: {  	[sflag:s25] =	ssyncset.done $0x0  }
0x4b: {  	s11 =	simm.s32 $0x380;
	[sflag:s25] =	ssyncadd.s32 $0xFFFFE000  }
0x4c: {  	[tilespmem:s26], [sflag:$0x4] =	stream.indirect.gather [hbm4b:s2+s18], $0x40, s11, s18, $0xb8;
	[tilespmem:$0x9900] =	vst v63  }
0x4d: {  	_ = 	snop  }
0x4e: {  	[hbm4b:s15+s3] =	stream.linear.scatter [tilespmem:s20], [sflag:$0x6], $0x2000, $0x38;
	[tilespmem:$0x9900] =	vst v63  }
0x4f: {  	_ =	swait.ge [sflag:s28], $0x2000  }
0x50: {  	[sflag:s28] =	ssyncset.done $0x0  }
0x51: {  	[sflag:s28] =	ssyncadd.s32 $0xFFFFE000  }
0x52: {  	_ =	swait.ge [sflag:s29], $0x2000  }
0x53: {  	[sflag:s29] =	ssyncset.done $0x0  }
0x54: {  	s12 =	simm.s32 $0x400;
	[sflag:s29] =	ssyncadd.s32 $0xFFFFE000  }
0x55: {  	[tilespmem:s19], [sflag:$0x1] =	stream.indirect.gather [hbm4b:s2+s18], $0x40, s12, s18, $0xb8;
	[tilespmem:$0x9900] =	vst v63  }
0x56: {  	_ = 	snop  }
0x57: {  	[hbm4b:s14+s3] =	stream.linear.scatter [tilespmem:s23], [sflag:$0x7], $0x2000, $0x38;
	[tilespmem:$0x9900] =	vst v63  }
0x58: {  	_ =	swait.ge [sflag:s31], $0x2000  }
0x59: {  	[sflag:s31] =	ssyncset.done $0x0  }
0x5a: {  	[sflag:s31] =	ssyncadd.s32 $0xFFFFE000  }
0x5b: {  	_ =	swait.ge [sflag:s1], $0x2000  }
0x5c: {  	s0 =	simm.s32 $0x800;
	s13 =	simm.s32 $0x480;
	[sflag:s1] =	ssyncset.done $0x0  }
0x5d: {  	s5 =	sadd.s32 $0x8000, s16;
	s7 =	sadd.s32 $0x1000, s10;
	[sflag:s1] =	ssyncadd.s32 $0xFFFFE000  }
0x5e: {  	[tilespmem:s20], [sflag:$0x2] =	stream.indirect.gather [hbm4b:s2+s18], $0x40, s13, s18, $0xb8;
	[tilespmem:$0x9900] =	vst v63  }
0x5f: {  	s8 =	sadd.s32 $0x1000, s14;
	s9 =	sadd.s32 $0x1000, s15;
	s13 =	smov.u32 s10  }
.LBB2_2:
0x60: {  	[hbm4b:s13+s3] =	stream.linear.scatter [tilespmem:s26], [sflag:$0x8], $0x2000, $0x38;
	[tilespmem:$0x9900] =	vst v63  }
0x61: {  	s11 =	smov.u32 s0;
	s13 =	smov.u32 s7  }
0x62: {  	p0 =	sne.s32 s0, $0x5000;
	s0 =	sadd.s32 $0x800, s0;
	_ =	swait.ge [sflag:s21], $0x2000  }
0x63: {  	[sflag:s21] =	ssyncset.done $0x0  }
0x64: {  	[sflag:s21] =	ssyncadd.s32 $0xFFFFE000  }
0x65: {  	_ =	swait.ge [sflag:s22], $0x2000  }
0x66: {  	s11 =	sshra.s32 s11, $0x2;
	[sflag:s22] =	ssyncset.done $0x0  }
0x67: {  	s6 =	sshrl.u32 s5, $0x3;
	s12 =	sadd.s32 $0x300, s11;
	[sflag:s22] =	ssyncadd.s32 $0xFFFFE000  }
0x68: {  	[tilespmem:s23], [sflag:$0x3] =	stream.indirect.gather [hbm4b:s2+s18], $0x40, s12, s18, $0xb8;
	[tilespmem:$0x9900] =	vst v63  }
0x69: {  	s6 =	sadd.s32 s4, s6  }
0x6a: {  	[hbm4b:s6+s3] =	stream.linear.scatter [tilespmem:s19], [sflag:$0x5], $0x2000, $0x38;
	[tilespmem:$0x9900] =	vst v63  }
0x6b: {  	_ =	swait.ge [sflag:s24], $0x2000  }
0x6c: {  	[sflag:s24] =	ssyncset.done $0x0  }
0x6d: {  	[sflag:s24] =	ssyncadd.s32 $0xFFFFE000  }
0x6e: {  	_ =	swait.ge [sflag:s25], $0x2000  }
0x6f: {  	[sflag:s25] =	ssyncset.done $0x0  }
0x70: {  	s6 =	sadd.s32 $0x380, s11;
	[sflag:s25] =	ssyncadd.s32 $0xFFFFE000  }
0x71: {  	[tilespmem:s26], [sflag:$0x4] =	stream.indirect.gather [hbm4b:s2+s18], $0x40, s6, s18, $0xb8;
	[tilespmem:$0x9900] =	vst v63  }
0x72: {  	_ = 	snop  }
0x73: {  	[hbm4b:s9+s3] =	stream.linear.scatter [tilespmem:s20], [sflag:$0x6], $0x2000, $0x38;
	[tilespmem:$0x9900] =	vst v63  }
0x74: {  	_ =	swait.ge [sflag:s28], $0x2000  }
0x75: {  	[sflag:s28] =	ssyncset.done $0x0  }
0x76: {  	[sflag:s28] =	ssyncadd.s32 $0xFFFFE000  }
0x77: {  	_ =	swait.ge [sflag:s29], $0x2000  }
0x78: {  	[sflag:s29] =	ssyncset.done $0x0  }
0x79: {  	s6 =	sadd.s32 $0x400, s11;
	[sflag:s29] =	ssyncadd.s32 $0xFFFFE000  }
0x7a: {  	[tilespmem:s19], [sflag:$0x1] =	stream.indirect.gather [hbm4b:s2+s18], $0x40, s6, s18, $0xb8;
	[tilespmem:$0x9900] =	vst v63  }
0x7b: {  	_ = 	snop  }
0x7c: {  	[hbm4b:s8+s3] =	stream.linear.scatter [tilespmem:s23], [sflag:$0x7], $0x2000, $0x38;
	[tilespmem:$0x9900] =	vst v63  }
0x7d: {  	_ =	swait.ge [sflag:s31], $0x2000  }
0x7e: {  	[sflag:s31] =	ssyncset.done $0x0  }
0x7f: {  	[sflag:s31] =	ssyncadd.s32 $0xFFFFE000  }
.Ltmp0:
0x80: {  	_ =	swait.ge [sflag:s1], $0x2000;
	(pc) =	sbr.rel @p0 .LBB2_2-.Ltmp0, $4  }
0x81: {  	[sflag:s1] =	ssyncset.done $0x0  }
0x82: {  	s5 =	sadd.s32 $0x8000, s5;
	s6 =	sadd.s32 $0x480, s11;
	[sflag:s1] =	ssyncadd.s32 $0xFFFFE000  }
0x83: {  	[tilespmem:s20], [sflag:$0x2] =	stream.indirect.gather [hbm4b:s2+s18], $0x40, s6, s18, $0xb8;
	[tilespmem:$0x9900] =	vst v63  }
0x84: {  	s7 =	sadd.s32 $0x1000, s7;
	s9 =	sadd.s32 $0x1000, s9;
	s8 =	sadd.s32 $0x1000, s8  }
0x85: {  	[hbm4b:s13+s3] =	stream.linear.scatter [tilespmem:s26], [sflag:$0x8], $0x2000, $0x38;
	[tilespmem:$0x9900] =	vst v63  }
0x86: {  	_ =	swait.ge [sflag:s21], $0x2000  }
0x87: {  	[sflag:s21] =	ssyncset.done $0x0  }
0x88: {  	[sflag:s21] =	ssyncadd.s32 $0xFFFFE000  }
0x89: {  	_ =	swait.ge [sflag:s22], $0x2000  }
0x8a: {  	[sflag:s22] =	ssyncset.done $0x0  }
0x8b: {  	s0 =	rddreg [dreg:$0x5];
	[sflag:s22] =	ssyncadd.s32 $0xFFFFE000  }
0x8c: {  	[hbm4b:s0+s3] =	stream.linear.scatter [tilespmem:s19], [sflag:$0x5], $0x2000, $0x38;
	[tilespmem:$0x9900] =	vst v63  }
0x8d: {  	_ =	swait.ge [sflag:s24], $0x2000  }
0x8e: {  	[sflag:s24] =	ssyncset.done $0x0  }
0x8f: {  	[sflag:s24] =	ssyncadd.s32 $0xFFFFE000  }
0x90: {  	_ =	swait.ge [sflag:s25], $0x2000  }
0x91: {  	[sflag:s25] =	ssyncset.done $0x0  }
0x92: {  	s12 =	rddreg [dreg:$0x6];
	[sflag:s25] =	ssyncadd.s32 $0xFFFFE000  }
0x93: {  	[hbm4b:s12+s3] =	stream.linear.scatter [tilespmem:s20], [sflag:$0x6], $0x2000, $0x38;
	[tilespmem:$0x9900] =	vst v63  }
0x94: {  	_ =	swait.ge [sflag:s29], $0x2000  }
0x95: {  	[sflag:s29] =	ssyncset.done $0x0  }
0x96: {  	[sflag:s29] =	ssyncadd.s32 $0xFFFFE000  }
0x97: {  	_ =	swait.ge [sflag:s1], $0x2000  }
0x98: {  	s30 =	sadd.s32 $0x1, s30;
	s13 =	rddreg [dreg:$0x7]  }
0x99: {  	p0 =	sne.s32 s30, s13  }
.Ltmp1:
0x9a: {  	_ = 	snop;
	(pc) =	sbr.rel @p0 .LBB2_1-.Ltmp1, $3  }
0x9b: {  	_ =	sdelay $0x1  }
0x9c: {  	[sflag:s1] =	ssyncset.done $0x0  }
0x9d: {  	[sflag:s1] =	ssyncadd.s32 $0xFFFFE000  }
0x9e: {  	_ =	sfence.sel $0x180000  }
0x9f: {  	[bflag:$0x0] =	sbarrier.arrive $0xFFFF  }
0xa0: {  	_ =	strace $0x90000047  }
0xa1: {  	s0 =	stileid.u32;
	[bflag:$0x2] =	sbarrier.arrive $0xFFFF  }
0xa2: {  	p0 =	sne.s32 s0, $0x0;
	s0 =	rddreg [dreg:$0x2]  }
0xa3: {  	s0 =	sadd.s32 @!p0 $0x100000, s0  }
0xa4: {  	[sflag:s0] =	ssyncadd.tile.s32 @!p0 $0x1;
	_ =	shalt  }
.Lfunc_end2:
_tile_overlayer_lowered:
.L_overlay_start_2:
0xa5: {  	(tag) =	ssettag $0x2  }
0xa6: {  	s0 =	rddreg [dreg:$0x0];
	s2 =	stileid.u32  }
0xa7: {  	s1 =	rddreg [dreg:$0x1];
	p0 =	sne.s32 s2, $0x0  }
0xa8: {  	s3 =	rddreg [dreg:$0x2];
	[bflag:$0x3] =	sbarrier.arrive $0xFFFF;
	s2 =	simm.s32 @!p0 $0x1C09  }
0xa9: {  	[timem:s3], [sflag:s2] =	dma.local @!p0 [hbm:s0], s1  }
0xaa: {  	s0 =	simm.s32 @!p0 $0x9  }
0xab: {  	_ =	swait.ge @!p0 [sflag:s0], s1  }
0xac: {  	s1 =	ssub.s32 @!p0 $0x0, s1;
	[sflag:s0] =	ssyncset.done @!p0 $0x0  }
0xad: {  	[sflag:s0] =	ssyncadd.s32 @!p0 s1  }
0xae: {  	[bflag:$0x3] =	sbarrier.arrive $0xFFFF  }
0xaf: {  	_ =	shalt  }

</sc_bundles>
